<compile_context>
chip_gen: v7x
topology: tpu7x:2x2x1
jax: 0.10.2.dev20260603
libtpu: 0.0.44.dev20260713+nightly
codegen_flags: <defaults>
</compile_context>

<pallas_src>
import functools

import jax
import jax.numpy as jnp
from jax import lax
from jax.experimental import pallas as pl
from jax.experimental.pallas import tpu as pltpu
from jax.experimental.pallas import tpu_sc as plsc

N_ENT = 1000000
DIM = 32
BATCH = 16384
INT_TEMP = 0.01

_KT = 21
_GT = 94
TPAD = _GT * 512 * _KT

NC, NS = 2, 16
NW = NC * NS
EPW = BATCH // NW
RPW = 2 * EPW
CH = 128
NCH = RPW // CH
EPH = EPW // 2

_C1, _C2, _C3, _C4 = -0.49944055, 0.32098896, -0.18417763, 0.05617695
_LN2 = 0.6931471805599453


def _log1p01(u):
    return u * (1.0 + u * (_C1 + u * (_C2 + u * (_C3 + u * _C4))))


def _swlog(x):
    bits = plsc.bitcast(x, jnp.int32)
    e = (bits >> 23) - 127
    m = plsc.bitcast((bits & 0x7FFFFF) | 0x3F800000, jnp.float32)
    w = (m - 1.0) / (m + 1.0)
    w2 = w * w
    return _LN2 * e.astype(jnp.float32) + w * (
        2.0 + w2 * (2.0 / 3.0 + w2 * (0.4 + w2 * (2.0 / 7.0))))


def _lse_pair(a, b):
    m = jnp.maximum(a, b)
    lo = jnp.minimum(a, b)
    u = jnp.exp((lo - m) * (1.0 / INT_TEMP))
    return m + INT_TEMP * _log1p01(u)


def _log_vol_term(s):
    e = jnp.exp(jnp.minimum(s, -s))
    sp = jnp.maximum(s, 0.0) + _log1p01(e) + 1e-23
    return _swlog(sp)


def _relayout_body(a_ref, o_ref):
    for k in range(_KT):
        o_ref[pl.ds(512 * k, 512), 0:64] = a_ref[:, pl.ds(512 * k, 512)].T


_relayout = pl.pallas_call(
    _relayout_body,
    grid=(_GT,),
    in_specs=[pl.BlockSpec((2 * DIM, 512 * _KT), lambda i: (0, i))],
    out_specs=pl.BlockSpec((512 * _KT, 128), lambda i: (i, 0)),
    out_shape=jax.ShapeDtypeStruct((TPAD, 128), jnp.float32),
)


@functools.lru_cache(maxsize=None)
def _get_sc():
    mesh = plsc.VectorSubcoreMesh(
        core_axis_name="c", subcore_axis_name="s", num_cores=NC, num_subcores=NS
    )

    @functools.partial(
        pl.kernel,
        mesh=mesh,
        out_type=jax.ShapeDtypeStruct((BATCH,), jnp.float32),
        scratch_types=[
            pltpu.VMEM((NCH, CH), jnp.int32),
            pltpu.VMEM((RPW // 2, 128), jnp.float32),
            pltpu.VMEM((EPW,), jnp.float32),
            pltpu.SemaphoreType.DMA,
        ],
        compiler_params=pltpu.CompilerParams(needs_layout_passes=False),
    )
    def sc_energy(table, idx3, out, idx_v, rows_v, ene, sem):
        cid = lax.axis_index("c")
        sid = lax.axis_index("s")
        wid = sid * NC + cid
        pltpu.sync_copy(idx3.at[wid], idx_v)

        lanes = lax.iota(jnp.int32, 16)
        for h in range(2):
            copies = []
            for j in range(NCH // 2):
                copies.append(pltpu.async_copy(
                    table.at[idx_v.at[(NCH // 2) * h + j]],
                    rows_v.at[pl.ds(CH * j, CH)], sem))
            for cp in copies:
                cp.wait()

            def _elem(i, vacc):
                r0 = 2 * i
                r1 = 2 * i + 1
                a0 = [rows_v[r0, pl.ds(16 * q, 16)] for q in range(4)]
                a1 = [rows_v[r1, pl.ds(16 * q, 16)] for q in range(4)]
                it = [_lse_pair(a0[q], a1[q]) for q in range(4)]
                s0a = -(it[0] + it[2])
                s0b = -(it[1] + it[3])
                s1a = -(a1[0] + a1[2])
                s1b = -(a1[1] + a1[3])
                t = (_log_vol_term(s0a) + _log_vol_term(s0b)
                     - _log_vol_term(s1a) - _log_vol_term(s1b))
                vacc = jnp.where(lanes == (i & 15), jnp.sum(t), vacc)

                @pl.when((i & 15) == 15)
                def _():
                    ene[pl.ds(EPH * h + i - 15, 16)] = vacc

                return vacc

            lax.fori_loop(0, EPH, _elem, jnp.zeros((16,), jnp.float32))

        pltpu.sync_copy(ene, out.at[pl.ds(EPW * wid, EPW)])

    return sc_energy


def kernel(idxs, boxes):
    t4 = boxes.transpose(1, 2, 0).reshape(2 * DIM, N_ENT)
    big = _relayout(t4)
    idx3 = idxs.reshape(NW, NCH, CH)
    return _get_sc()(big, idx3)

# --- scband reference (transcript-rebuilt; emitter-appended) ---
"""Pipeline reference for scband-tbox-46402826666653 (READ-ONLY COPY).

The authoritative reference and input builder live on the scoring server;
editing this copy changes nothing except your own understanding.
"""

import jax, jax.numpy as jnp
import numpy as np

NUM_ENTITIES = 1000000
DIM = 32
BATCH = 16384
INT_TEMP = 0.01
VOL_TEMP = 1.0


def setup_inputs(seed: int = 0) -> dict:
    key = jax.random.key(seed)
    k1, k2 = jax.random.split(key)
    # Replicate torch init: sort randn along corner axis, negate the max-corner slot
    raw = jax.random.normal(k1, (NUM_ENTITIES, 2, DIM), dtype=jnp.float32)
    boxes = jnp.sort(raw, axis=-2) * jnp.array([1.0, -1.0], dtype=jnp.float32)[None, :, None]
    idxs = jax.random.randint(k2, (BATCH, 2), 0, NUM_ENTITIES, dtype=jnp.int32)
    return {"idxs": idxs, "boxes": boxes}


def reference(idxs, boxes):
    it = INT_TEMP
    vt = VOL_TEMP
    # gather: (..., 2) indices -> (..., 2, 2, DIM) box params
    b = jnp.take(boxes, idxs, axis=0)
    # Gumbel intersection via logsumexp over the edge-pair axis (dim=-3)
    inter = it * jax.scipy.special.logsumexp(b / it, axis=-3, keepdims=True)  # (..., 1, 2, DIM)
    inter = jnp.max(jnp.concatenate((inter, b), axis=-3), axis=-3)  # (..., 2, DIM)
    # stack intersection with the marginal (second entity's) box
    iam = jnp.stack((inter, b[..., 1, :, :]), axis=-3)  # (..., 2, 2, DIM)
    side = -jnp.sum(iam, axis=-2)  # (..., 2, DIM); note boxes[:,1] stores -mu_Z
    log_volumes = jnp.sum(jnp.log(vt * jax.nn.softplus(side / vt) + 1e-23), axis=-1)  # (..., 2)
    out = log_volumes[..., 0] - log_volumes[..., 1]
    return out

if __name__ == "__main__":
    import jax
    _d = setup_inputs()
    print(jax.jit(kernel)(*tuple(_d.values())))

</pallas_src>

<mosaic_0001>
#map = affine_map<(d0, d1) -> (0, 0)>
#map1 = affine_map<(d0, d1) -> (0, 0, 0)>
#map2 = affine_map<(d0, d1) -> (0)>
module attributes {stable_mosaic.version = 14 : i64} {
  func.func @sc_energy(%arg0: i32, %arg1: i32, %arg2: memref<1010688x128xf32, #tpu.memory_space<hbm>>, %arg3: memref<32x8x128xi32, #tpu.memory_space<hbm>>, %arg4: memref<16384xf32, #tpu.memory_space<hbm>>, %arg5: memref<8x128xi32, #tpu.memory_space<vmem>>, %arg6: memref<512x128xf32, #tpu.memory_space<vmem>>, %arg7: memref<512xf32, #tpu.memory_space<vmem>>, %arg8: memref<!tpu.dma_semaphore, #tpu.memory_space<semaphore_mem>>) attributes {dimension_semantics = [#tpu.dimension_semantics<core_parallel>, #tpu.dimension_semantics<subcore_parallel>], iteration_bounds = array<i64: 2, 16>, scalar_prefetch = 0 : i64, scratch_operands = 4 : i64, tpu.core_type = #tpu.core_type<sc_vector_subcore>, window_params = [{transform_indices = #map}, {transform_indices = #map1}, {transform_indices = #map2}]} {
    %mul3A = arith.constant 2 : i32
    %mul3A_0 = arith.muli %arg1, %mul3A : i32
    %add3A = arith.addi %mul3A_0, %arg0 : i32
    "tpu.region"() ({
      %run_scoped3A = tpu.sem_alloc : memref<!tpu.dma_semaphore, #tpu.memory_space<semaphore_mem>>
      %dma_start3A_175 = arith.constant 0 : i32
      %dma_start3A_176 = arith.constant 0 : i32
      %dma_start3A_177 = tpu.memref_slice %arg3[%add3A, %dma_start3A_175, %dma_start3A_176] : memref<32x8x128xi32, #tpu.memory_space<hbm>> -> memref<1x8x128xi32, #tpu.memory_space<hbm>>
      %dma_start3A_178 = tpu.memref_squeeze %dma_start3A_177 : memref<1x8x128xi32, #tpu.memory_space<hbm>> -> memref<8x128xi32, #tpu.memory_space<hbm>>
      %dma_start3A_179 = arith.constant 0 : i32
      %dma_start3A_180 = arith.constant 0 : i32
      %dma_start3A_181 = tpu.memref_slice %arg3[%add3A, %dma_start3A_179, %dma_start3A_180] : memref<32x8x128xi32, #tpu.memory_space<hbm>> -> memref<1x8x128xi32, #tpu.memory_space<hbm>>
      %dma_start3A_182 = tpu.memref_squeeze %dma_start3A_181 : memref<1x8x128xi32, #tpu.memory_space<hbm>> -> memref<8x128xi32, #tpu.memory_space<hbm>>
      tpu.enqueue_dma source(%dma_start3A_182 : memref<8x128xi32, #tpu.memory_space<hbm>>) target(%arg5 : memref<8x128xi32, #tpu.memory_space<vmem>>) target_semaphore(%run_scoped3A : memref<!tpu.dma_semaphore, #tpu.memory_space<semaphore_mem>>)
      %dma_wait3A_183 = arith.constant 0 : i32
      %dma_wait3A_184 = arith.constant 0 : i32
      %dma_wait3A_185 = tpu.memref_slice %arg3[%add3A, %dma_wait3A_183, %dma_wait3A_184] : memref<32x8x128xi32, #tpu.memory_space<hbm>> -> memref<1x8x128xi32, #tpu.memory_space<hbm>>
      %dma_wait3A_186 = tpu.memref_squeeze %dma_wait3A_185 : memref<1x8x128xi32, #tpu.memory_space<hbm>> -> memref<8x128xi32, #tpu.memory_space<hbm>>
      %dma_wait3A_187 = arith.constant 0 : i32
      %dma_wait3A_188 = arith.constant 0 : i32
      %dma_wait3A_189 = tpu.memref_slice %arg3[%add3A, %dma_wait3A_187, %dma_wait3A_188] : memref<32x8x128xi32, #tpu.memory_space<hbm>> -> memref<1x8x128xi32, #tpu.memory_space<hbm>>
      %dma_wait3A_190 = tpu.memref_squeeze %dma_wait3A_189 : memref<1x8x128xi32, #tpu.memory_space<hbm>> -> memref<8x128xi32, #tpu.memory_space<hbm>>
      tpu.wait_dma2 semaphore(%run_scoped3A : memref<!tpu.dma_semaphore, #tpu.memory_space<semaphore_mem>>) src(%dma_wait3A_190 : memref<8x128xi32, #tpu.memory_space<hbm>>) dst(%arg5 : memref<8x128xi32, #tpu.memory_space<vmem>>)
      tpu.yield
    }) : () -> ()
    %iota3A = tpu.iota {dimensions = array<i32: 0>} : vector<16xi32>
    %dma_start3A = arith.constant 0 : i32
    %dma_start3A_1 = arith.constant 0 : i32
    %dma_start3A_2 = arith.constant 0 : i32
    %dma_start3A_3 = tpu.memref_slice %arg6[%dma_start3A_1, %dma_start3A_2] : memref<512x128xf32, #tpu.memory_space<vmem>> -> memref<128x128xf32, #tpu.memory_space<vmem>>
    %dma_start3A_4 = arith.constant 0 : i32
    %dma_start3A_5 = tpu.memref_slice %arg5[%dma_start3A, %dma_start3A_4] : memref<8x128xi32, #tpu.memory_space<vmem>> -> memref<1x128xi32, #tpu.memory_space<vmem>>
    %dma_start3A_6 = tpu.memref_squeeze %dma_start3A_5 : memref<1x128xi32, #tpu.memory_space<vmem>> -> memref<128xi32, #tpu.memory_space<vmem>>
    %dma_start3A_7 = arith.constant 0 : i32
    %dma_start3A_8 = arith.constant 0 : i32
    %dma_start3A_9 = tpu.memref_slice %arg2[%dma_start3A_7, %dma_start3A_8] : memref<1010688x128xf32, #tpu.memory_space<hbm>> -> memref<1010688x128xf32, #tpu.memory_space<hbm>>
    tpu.enqueue_indirect_dma source(%dma_start3A_9 : memref<1010688x128xf32, #tpu.memory_space<hbm>>) target(%dma_start3A_3 : memref<128x128xf32, #tpu.memory_space<vmem>>) offsets(%dma_start3A_6 : memref<128xi32, #tpu.memory_space<vmem>>) semaphore(%arg8 : memref<!tpu.dma_semaphore, #tpu.memory_space<semaphore_mem>>)
    %dma_start3A_10 = arith.constant 1 : i32
    %dma_start3A_11 = arith.constant 128 : i32
    %dma_start3A_12 = arith.constant 0 : i32
    %dma_start3A_13 = tpu.memref_slice %arg6[%dma_start3A_11, %dma_start3A_12] : memref<512x128xf32, #tpu.memory_space<vmem>> -> memref<128x128xf32, #tpu.memory_space<vmem>>
    %dma_start3A_14 = arith.constant 0 : i32
    %dma_start3A_15 = tpu.memref_slice %arg5[%dma_start3A_10, %dma_start3A_14] : memref<8x128xi32, #tpu.memory_space<vmem>> -> memref<1x128xi32, #tpu.memory_space<vmem>>
    %dma_start3A_16 = tpu.memref_squeeze %dma_start3A_15 : memref<1x128xi32, #tpu.memory_space<vmem>> -> memref<128xi32, #tpu.memory_space<vmem>>
    %dma_start3A_17 = arith.constant 0 : i32
    %dma_start3A_18 = arith.constant 0 : i32
    %dma_start3A_19 = tpu.memref_slice %arg2[%dma_start3A_17, %dma_start3A_18] : memref<1010688x128xf32, #tpu.memory_space<hbm>> -> memref<1010688x128xf32, #tpu.memory_space<hbm>>
    tpu.enqueue_indirect_dma source(%dma_start3A_19 : memref<1010688x128xf32, #tpu.memory_space<hbm>>) target(%dma_start3A_13 : memref<128x128xf32, #tpu.memory_space<vmem>>) offsets(%dma_start3A_16 : memref<128xi32, #tpu.memory_space<vmem>>) semaphore(%arg8 : memref<!tpu.dma_semaphore, #tpu.memory_space<semaphore_mem>>)
    %dma_start3A_20 = arith.constant 2 : i32
    %dma_start3A_21 = arith.constant 256 : i32
    %dma_start3A_22 = arith.constant 0 : i32
    %dma_start3A_23 = tpu.memref_slice %arg6[%dma_start3A_21, %dma_start3A_22] : memref<512x128xf32, #tpu.memory_space<vmem>> -> memref<128x128xf32, #tpu.memory_space<vmem>>
    %dma_start3A_24 = arith.constant 0 : i32
    %dma_start3A_25 = tpu.memref_slice %arg5[%dma_start3A_20, %dma_start3A_24] : memref<8x128xi32, #tpu.memory_space<vmem>> -> memref<1x128xi32, #tpu.memory_space<vmem>>
    %dma_start3A_26 = tpu.memref_squeeze %dma_start3A_25 : memref<1x128xi32, #tpu.memory_space<vmem>> -> memref<128xi32, #tpu.memory_space<vmem>>
    %dma_start3A_27 = arith.constant 0 : i32
    %dma_start3A_28 = arith.constant 0 : i32
    %dma_start3A_29 = tpu.memref_slice %arg2[%dma_start3A_27, %dma_start3A_28] : memref<1010688x128xf32, #tpu.memory_space<hbm>> -> memref<1010688x128xf32, #tpu.memory_space<hbm>>
    tpu.enqueue_indirect_dma source(%dma_start3A_29 : memref<1010688x128xf32, #tpu.memory_space<hbm>>) target(%dma_start3A_23 : memref<128x128xf32, #tpu.memory_space<vmem>>) offsets(%dma_start3A_26 : memref<128xi32, #tpu.memory_space<vmem>>) semaphore(%arg8 : memref<!tpu.dma_semaphore, #tpu.memory_space<semaphore_mem>>)
    %dma_start3A_30 = arith.constant 3 : i32
    %dma_start3A_31 = arith.constant 384 : i32
    %dma_start3A_32 = arith.constant 0 : i32
    %dma_start3A_33 = tpu.memref_slice %arg6[%dma_start3A_31, %dma_start3A_32] : memref<512x128xf32, #tpu.memory_space<vmem>> -> memref<128x128xf32, #tpu.memory_space<vmem>>
    %dma_start3A_34 = arith.constant 0 : i32
    %dma_start3A_35 = tpu.memref_slice %arg5[%dma_start3A_30, %dma_start3A_34] : memref<8x128xi32, #tpu.memory_space<vmem>> -> memref<1x128xi32, #tpu.memory_space<vmem>>
    %dma_start3A_36 = tpu.memref_squeeze %dma_start3A_35 : memref<1x128xi32, #tpu.memory_space<vmem>> -> memref<128xi32, #tpu.memory_space<vmem>>
    %dma_start3A_37 = arith.constant 0 : i32
    %dma_start3A_38 = arith.constant 0 : i32
    %dma_start3A_39 = tpu.memref_slice %arg2[%dma_start3A_37, %dma_start3A_38] : memref<1010688x128xf32, #tpu.memory_space<hbm>> -> memref<1010688x128xf32, #tpu.memory_space<hbm>>
    tpu.enqueue_indirect_dma source(%dma_start3A_39 : memref<1010688x128xf32, #tpu.memory_space<hbm>>) target(%dma_start3A_33 : memref<128x128xf32, #tpu.memory_space<vmem>>) offsets(%dma_start3A_36 : memref<128xi32, #tpu.memory_space<vmem>>) semaphore(%arg8 : memref<!tpu.dma_semaphore, #tpu.memory_space<semaphore_mem>>)
    %dma_wait3A = arith.constant 0 : i32
    %dma_wait3A_40 = arith.constant 0 : i32
    %dma_wait3A_41 = arith.constant 0 : i32
    %dma_wait3A_42 = tpu.memref_slice %arg6[%dma_wait3A_40, %dma_wait3A_41] : memref<512x128xf32, #tpu.memory_space<vmem>> -> memref<128x128xf32, #tpu.memory_space<vmem>>
    %dma_wait3A_43 = arith.constant 0 : i32
    %dma_wait3A_44 = tpu.memref_slice %arg5[%dma_wait3A, %dma_wait3A_43] : memref<8x128xi32, #tpu.memory_space<vmem>> -> memref<1x128xi32, #tpu.memory_space<vmem>>
    %dma_wait3A_45 = tpu.memref_squeeze %dma_wait3A_44 : memref<1x128xi32, #tpu.memory_space<vmem>> -> memref<128xi32, #tpu.memory_space<vmem>>
    %dma_wait3A_46 = arith.constant 0 : i32
    %dma_wait3A_47 = arith.constant 0 : i32
    %dma_wait3A_48 = tpu.memref_slice %arg2[%dma_wait3A_46, %dma_wait3A_47] : memref<1010688x128xf32, #tpu.memory_space<hbm>> -> memref<1010688x128xf32, #tpu.memory_space<hbm>>
    tpu.wait_indirect_dma semaphore(%arg8 : memref<!tpu.dma_semaphore, #tpu.memory_space<semaphore_mem>>) src(%dma_wait3A_48 : memref<1010688x128xf32, #tpu.memory_space<hbm>>) dst(%dma_wait3A_42 : memref<128x128xf32, #tpu.memory_space<vmem>>)
    %dma_wait3A_49 = arith.constant 1 : i32
    %dma_wait3A_50 = arith.constant 128 : i32
    %dma_wait3A_51 = arith.constant 0 : i32
    %dma_wait3A_52 = tpu.memref_slice %arg6[%dma_wait3A_50, %dma_wait3A_51] : memref<512x128xf32, #tpu.memory_space<vmem>> -> memref<128x128xf32, #tpu.memory_space<vmem>>
    %dma_wait3A_53 = arith.constant 0 : i32
    %dma_wait3A_54 = tpu.memref_slice %arg5[%dma_wait3A_49, %dma_wait3A_53] : memref<8x128xi32, #tpu.memory_space<vmem>> -> memref<1x128xi32, #tpu.memory_space<vmem>>
    %dma_wait3A_55 = tpu.memref_squeeze %dma_wait3A_54 : memref<1x128xi32, #tpu.memory_space<vmem>> -> memref<128xi32, #tpu.memory_space<vmem>>
    %dma_wait3A_56 = arith.constant 0 : i32
    %dma_wait3A_57 = arith.constant 0 : i32
    %dma_wait3A_58 = tpu.memref_slice %arg2[%dma_wait3A_56, %dma_wait3A_57] : memref<1010688x128xf32, #tpu.memory_space<hbm>> -> memref<1010688x128xf32, #tpu.memory_space<hbm>>
    tpu.wait_indirect_dma semaphore(%arg8 : memref<!tpu.dma_semaphore, #tpu.memory_space<semaphore_mem>>) src(%dma_wait3A_58 : memref<1010688x128xf32, #tpu.memory_space<hbm>>) dst(%dma_wait3A_52 : memref<128x128xf32, #tpu.memory_space<vmem>>)
    %dma_wait3A_59 = arith.constant 2 : i32
    %dma_wait3A_60 = arith.constant 256 : i32
    %dma_wait3A_61 = arith.constant 0 : i32
    %dma_wait3A_62 = tpu.memref_slice %arg6[%dma_wait3A_60, %dma_wait3A_61] : memref<512x128xf32, #tpu.memory_space<vmem>> -> memref<128x128xf32, #tpu.memory_space<vmem>>
    %dma_wait3A_63 = arith.constant 0 : i32
    %dma_wait3A_64 = tpu.memref_slice %arg5[%dma_wait3A_59, %dma_wait3A_63] : memref<8x128xi32, #tpu.memory_space<vmem>> -> memref<1x128xi32, #tpu.memory_space<vmem>>
    %dma_wait3A_65 = tpu.memref_squeeze %dma_wait3A_64 : memref<1x128xi32, #tpu.memory_space<vmem>> -> memref<128xi32, #tpu.memory_space<vmem>>
    %dma_wait3A_66 = arith.constant 0 : i32
    %dma_wait3A_67 = arith.constant 0 : i32
    %dma_wait3A_68 = tpu.memref_slice %arg2[%dma_wait3A_66, %dma_wait3A_67] : memref<1010688x128xf32, #tpu.memory_space<hbm>> -> memref<1010688x128xf32, #tpu.memory_space<hbm>>
    tpu.wait_indirect_dma semaphore(%arg8 : memref<!tpu.dma_semaphore, #tpu.memory_space<semaphore_mem>>) src(%dma_wait3A_68 : memref<1010688x128xf32, #tpu.memory_space<hbm>>) dst(%dma_wait3A_62 : memref<128x128xf32, #tpu.memory_space<vmem>>)
    %dma_wait3A_69 = arith.constant 3 : i32
    %dma_wait3A_70 = arith.constant 384 : i32
    %dma_wait3A_71 = arith.constant 0 : i32
    %dma_wait3A_72 = tpu.memref_slice %arg6[%dma_wait3A_70, %dma_wait3A_71] : memref<512x128xf32, #tpu.memory_space<vmem>> -> memref<128x128xf32, #tpu.memory_space<vmem>>
    %dma_wait3A_73 = arith.constant 0 : i32
    %dma_wait3A_74 = tpu.memref_slice %arg5[%dma_wait3A_69, %dma_wait3A_73] : memref<8x128xi32, #tpu.memory_space<vmem>> -> memref<1x128xi32, #tpu.memory_space<vmem>>
    %dma_wait3A_75 = tpu.memref_squeeze %dma_wait3A_74 : memref<1x128xi32, #tpu.memory_space<vmem>> -> memref<128xi32, #tpu.memory_space<vmem>>
    %dma_wait3A_76 = arith.constant 0 : i32
    %dma_wait3A_77 = arith.constant 0 : i32
    %dma_wait3A_78 = tpu.memref_slice %arg2[%dma_wait3A_76, %dma_wait3A_77] : memref<1010688x128xf32, #tpu.memory_space<hbm>> -> memref<1010688x128xf32, #tpu.memory_space<hbm>>
    tpu.wait_indirect_dma semaphore(%arg8 : memref<!tpu.dma_semaphore, #tpu.memory_space<semaphore_mem>>) src(%dma_wait3A_78 : memref<1010688x128xf32, #tpu.memory_space<hbm>>) dst(%dma_wait3A_72 : memref<128x128xf32, #tpu.memory_space<vmem>>)
    %broadcast_in_dim3A = arith.constant 0.000000e+00 : f32
    %broadcast_in_dim3A_79 = vector.broadcast %broadcast_in_dim3A : f32 to vector<16xf32>
    %scan3A = arith.constant 0 : i32
    %scan3A_80 = arith.constant 256 : i32
    %scan3A_81 = arith.addi %scan3A, %scan3A_80 : i32
    %scan3A_82 = arith.constant 1 : i32
    %scan3A_83 = scf.for %scan3A_175 = %scan3A to %scan3A_81 step %scan3A_82 iter_args(%scan3A_176 = %broadcast_in_dim3A_79) -> (vector<16xf32>)  : i32 {
      %mul3A_177 = arith.constant 2 : i32
      %mul3A_178 = arith.muli %mul3A_177, %scan3A_175 : i32
      %mul3A_179 = arith.constant 2 : i32
      %mul3A_180 = arith.muli %mul3A_179, %scan3A_175 : i32
      %add3A_181 = arith.constant 1 : i32
      %add3A_182 = arith.addi %mul3A_180, %add3A_181 : i32
      %get3A = arith.index_cast %mul3A_178 : i32 to index
      %get3A_183 = arith.constant 0 : index
      %get3A_184 = tpu.vector_load %arg6[%get3A, %get3A_183] {strides = array<i32>} : memref<512x128xf32, #tpu.memory_space<vmem>>, vector<16xf32>,
      %get3A_185 = arith.index_cast %mul3A_178 : i32 to index
      %get3A_186 = arith.constant 16 : index
      %get3A_187 = tpu.vector_load %arg6[%get3A_185, %get3A_186] {strides = array<i32>} : memref<512x128xf32, #tpu.memory_space<vmem>>, vector<16xf32>,
      %get3A_188 = arith.index_cast %mul3A_178 : i32 to index
      %get3A_189 = arith.constant 32 : index
      %get3A_190 = tpu.vector_load %arg6[%get3A_188, %get3A_189] {strides = array<i32>} : memref<512x128xf32, #tpu.memory_space<vmem>>, vector<16xf32>,
      %get3A_191 = arith.index_cast %mul3A_178 : i32 to index
      %get3A_192 = arith.constant 48 : index
      %get3A_193 = tpu.vector_load %arg6[%get3A_191, %get3A_192] {strides = array<i32>} : memref<512x128xf32, #tpu.memory_space<vmem>>, vector<16xf32>,
      %get3A_194 = arith.index_cast %add3A_182 : i32 to index
      %get3A_195 = arith.constant 0 : index
      %get3A_196 = tpu.vector_load %arg6[%get3A_194, %get3A_195] {strides = array<i32>} : memref<512x128xf32, #tpu.memory_space<vmem>>, vector<16xf32>,
      %get3A_197 = arith.index_cast %add3A_182 : i32 to index
      %get3A_198 = arith.constant 16 : index
      %get3A_199 = tpu.vector_load %arg6[%get3A_197, %get3A_198] {strides = array<i32>} : memref<512x128xf32, #tpu.memory_space<vmem>>, vector<16xf32>,
      %get3A_200 = arith.index_cast %add3A_182 : i32 to index
      %get3A_201 = arith.constant 32 : index
      %get3A_202 = tpu.vector_load %arg6[%get3A_200, %get3A_201] {strides = array<i32>} : memref<512x128xf32, #tpu.memory_space<vmem>>, vector<16xf32>,
      %get3A_203 = arith.index_cast %add3A_182 : i32 to index
      %get3A_204 = arith.constant 48 : index
      %get3A_205 = tpu.vector_load %arg6[%get3A_203, %get3A_204] {strides = array<i32>} : memref<512x128xf32, #tpu.memory_space<vmem>>, vector<16xf32>,
      %max3A = arith.maximumf %get3A_184, %get3A_196 : vector<16xf32>
      %min3A = arith.minimumf %get3A_184, %get3A_196 : vector<16xf32>
      %sub3A = arith.subf %min3A, %max3A : vector<16xf32>
      %mul3A_206 = arith.constant 1.000000e+02 : f32
      %mul3A_207 = vector.broadcast %mul3A_206 : f32 to vector<16xf32>
      %mul3A_208 = arith.mulf %sub3A, %mul3A_207 : vector<16xf32>
      %exp3A = math.exp %mul3A_208 : vector<16xf32>
      %mul3A_209 = arith.constant 0.0561769493 : f32
      %mul3A_210 = vector.broadcast %mul3A_209 : f32 to vector<16xf32>
      %mul3A_211 = arith.mulf %exp3A, %mul3A_210 : vector<16xf32>
      %add3A_212 = arith.constant -0.184177637 : f32
      %add3A_213 = vector.broadcast %add3A_212 : f32 to vector<16xf32>
      %add3A_214 = arith.addf %add3A_213, %mul3A_211 : vector<16xf32>
      %mul3A_215 = arith.mulf %exp3A, %add3A_214 : vector<16xf32>
      %add3A_216 = arith.constant 0.320988953 : f32
      %add3A_217 = vector.broadcast %add3A_216 : f32 to vector<16xf32>
      %add3A_218 = arith.addf %add3A_217, %mul3A_215 : vector<16xf32>
      %mul3A_219 = arith.mulf %exp3A, %add3A_218 : vector<16xf32>
      %add3A_220 = arith.constant -0.499440551 : f32
      %add3A_221 = vector.broadcast %add3A_220 : f32 to vector<16xf32>
      %add3A_222 = arith.addf %add3A_221, %mul3A_219 : vector<16xf32>
      %mul3A_223 = arith.mulf %exp3A, %add3A_222 : vector<16xf32>
      %add3A_224 = arith.constant 1.000000e+00 : f32
      %add3A_225 = vector.broadcast %add3A_224 : f32 to vector<16xf32>
      %add3A_226 = arith.addf %add3A_225, %mul3A_223 : vector<16xf32>
      %mul3A_227 = arith.mulf %exp3A, %add3A_226 : vector<16xf32>
      %mul3A_228 = arith.constant 0.00999999977 : f32
      %mul3A_229 = vector.broadcast %mul3A_228 : f32 to vector<16xf32>
      %mul3A_230 = arith.mulf %mul3A_229, %mul3A_227 : vector<16xf32>
      %add3A_231 = arith.addf %max3A, %mul3A_230 : vector<16xf32>
      %max3A_232 = arith.maximumf %get3A_187, %get3A_199 : vector<16xf32>
      %min3A_233 = arith.minimumf %get3A_187, %get3A_199 : vector<16xf32>
      %sub3A_234 = arith.subf %min3A_233, %max3A_232 : vector<16xf32>
      %mul3A_235 = arith.constant 1.000000e+02 : f32
      %mul3A_236 = vector.broadcast %mul3A_235 : f32 to vector<16xf32>
      %mul3A_237 = arith.mulf %sub3A_234, %mul3A_236 : vector<16xf32>
      %exp3A_238 = math.exp %mul3A_237 : vector<16xf32>
      %mul3A_239 = arith.constant 0.0561769493 : f32
      %mul3A_240 = vector.broadcast %mul3A_239 : f32 to vector<16xf32>
      %mul3A_241 = arith.mulf %exp3A_238, %mul3A_240 : vector<16xf32>
      %add3A_242 = arith.constant -0.184177637 : f32
      %add3A_243 = vector.broadcast %add3A_242 : f32 to vector<16xf32>
      %add3A_244 = arith.addf %add3A_243, %mul3A_241 : vector<16xf32>
      %mul3A_245 = arith.mulf %exp3A_238, %add3A_244 : vector<16xf32>
      %add3A_246 = arith.constant 0.320988953 : f32
      %add3A_247 = vector.broadcast %add3A_246 : f32 to vector<16xf32>
      %add3A_248 = arith.addf %add3A_247, %mul3A_245 : vector<16xf32>
      %mul3A_249 = arith.mulf %exp3A_238, %add3A_248 : vector<16xf32>
      %add3A_250 = arith.constant -0.499440551 : f32
      %add3A_251 = vector.broadcast %add3A_250 : f32 to vector<16xf32>
      %add3A_252 = arith.addf %add3A_251, %mul3A_249 : vector<16xf32>
      %mul3A_253 = arith.mulf %exp3A_238, %add3A_252 : vector<16xf32>
      %add3A_254 = arith.constant 1.000000e+00 : f32
      %add3A_255 = vector.broadcast %add3A_254 : f32 to vector<16xf32>
      %add3A_256 = arith.addf %add3A_255, %mul3A_253 : vector<16xf32>
      %mul3A_257 = arith.mulf %exp3A_238, %add3A_256 : vector<16xf32>
      %mul3A_258 = arith.constant 0.00999999977 : f32
      %mul3A_259 = vector.broadcast %mul3A_258 : f32 to vector<16xf32>
      %mul3A_260 = arith.mulf %mul3A_259, %mul3A_257 : vector<16xf32>
      %add3A_261 = arith.addf %max3A_232, %mul3A_260 : vector<16xf32>
      %max3A_262 = arith.maximumf %get3A_190, %get3A_202 : vector<16xf32>
      %min3A_263 = arith.minimumf %get3A_190, %get3A_202 : vector<16xf32>
      %sub3A_264 = arith.subf %min3A_263, %max3A_262 : vector<16xf32>
      %mul3A_265 = arith.constant 1.000000e+02 : f32
      %mul3A_266 = vector.broadcast %mul3A_265 : f32 to vector<16xf32>
      %mul3A_267 = arith.mulf %sub3A_264, %mul3A_266 : vector<16xf32>
      %exp3A_268 = math.exp %mul3A_267 : vector<16xf32>
      %mul3A_269 = arith.constant 0.0561769493 : f32
      %mul3A_270 = vector.broadcast %mul3A_269 : f32 to vector<16xf32>
      %mul3A_271 = arith.mulf %exp3A_268, %mul3A_270 : vector<16xf32>
      %add3A_272 = arith.constant -0.184177637 : f32
      %add3A_273 = vector.broadcast %add3A_272 : f32 to vector<16xf32>
      %add3A_274 = arith.addf %add3A_273, %mul3A_271 : vector<16xf32>
      %mul3A_275 = arith.mulf %exp3A_268, %add3A_274 : vector<16xf32>
      %add3A_276 = arith.constant 0.320988953 : f32
      %add3A_277 = vector.broadcast %add3A_276 : f32 to vector<16xf32>
      %add3A_278 = arith.addf %add3A_277, %mul3A_275 : vector<16xf32>
      %mul3A_279 = arith.mulf %exp3A_268, %add3A_278 : vector<16xf32>
      %add3A_280 = arith.constant -0.499440551 : f32
      %add3A_281 = vector.broadcast %add3A_280 : f32 to vector<16xf32>
      %add3A_282 = arith.addf %add3A_281, %mul3A_279 : vector<16xf32>
      %mul3A_283 = arith.mulf %exp3A_268, %add3A_282 : vector<16xf32>
      %add3A_284 = arith.constant 1.000000e+00 : f32
      %add3A_285 = vector.broadcast %add3A_284 : f32 to vector<16xf32>
      %add3A_286 = arith.addf %add3A_285, %mul3A_283 : vector<16xf32>
      %mul3A_287 = arith.mulf %exp3A_268, %add3A_286 : vector<16xf32>
      %mul3A_288 = arith.constant 0.00999999977 : f32
      %mul3A_289 = vector.broadcast %mul3A_288 : f32 to vector<16xf32>
      %mul3A_290 = arith.mulf %mul3A_289, %mul3A_287 : vector<16xf32>
      %add3A_291 = arith.addf %max3A_262, %mul3A_290 : vector<16xf32>
      %max3A_292 = arith.maximumf %get3A_193, %get3A_205 : vector<16xf32>
      %min3A_293 = arith.minimumf %get3A_193, %get3A_205 : vector<16xf32>
      %sub3A_294 = arith.subf %min3A_293, %max3A_292 : vector<16xf32>
      %mul3A_295 = arith.constant 1.000000e+02 : f32
      %mul3A_296 = vector.broadcast %mul3A_295 : f32 to vector<16xf32>
      %mul3A_297 = arith.mulf %sub3A_294, %mul3A_296 : vector<16xf32>
      %exp3A_298 = math.exp %mul3A_297 : vector<16xf32>
      %mul3A_299 = arith.constant 0.0561769493 : f32
      %mul3A_300 = vector.broadcast %mul3A_299 : f32 to vector<16xf32>
      %mul3A_301 = arith.mulf %exp3A_298, %mul3A_300 : vector<16xf32>
      %add3A_302 = arith.constant -0.184177637 : f32
      %add3A_303 = vector.broadcast %add3A_302 : f32 to vector<16xf32>
      %add3A_304 = arith.addf %add3A_303, %mul3A_301 : vector<16xf32>
      %mul3A_305 = arith.mulf %exp3A_298, %add3A_304 : vector<16xf32>
      %add3A_306 = arith.constant 0.320988953 : f32
      %add3A_307 = vector.broadcast %add3A_306 : f32 to vector<16xf32>
      %add3A_308 = arith.addf %add3A_307, %mul3A_305 : vector<16xf32>
      %mul3A_309 = arith.mulf %exp3A_298, %add3A_308 : vector<16xf32>
      %add3A_310 = arith.constant -0.499440551 : f32
      %add3A_311 = vector.broadcast %add3A_310 : f32 to vector<16xf32>
      %add3A_312 = arith.addf %add3A_311, %mul3A_309 : vector<16xf32>
      %mul3A_313 = arith.mulf %exp3A_298, %add3A_312 : vector<16xf32>
      %add3A_314 = arith.constant 1.000000e+00 : f32
      %add3A_315 = vector.broadcast %add3A_314 : f32 to vector<16xf32>
      %add3A_316 = arith.addf %add3A_315, %mul3A_313 : vector<16xf32>
      %mul3A_317 = arith.mulf %exp3A_298, %add3A_316 : vector<16xf32>
      %mul3A_318 = arith.constant 0.00999999977 : f32
      %mul3A_319 = vector.broadcast %mul3A_318 : f32 to vector<16xf32>
      %mul3A_320 = arith.mulf %mul3A_319, %mul3A_317 : vector<16xf32>
      %add3A_321 = arith.addf %max3A_292, %mul3A_320 : vector<16xf32>
      %add3A_322 = arith.addf %add3A_231, %add3A_291 : vector<16xf32>
      %neg3A = arith.constant 0.000000e+00 : f32
      %neg3A_323 = vector.broadcast %neg3A : f32 to vector<16xf32>
      %neg3A_324 = arith.subf %neg3A_323, %add3A_322 : vector<16xf32>
      %add3A_325 = arith.addf %add3A_261, %add3A_321 : vector<16xf32>
      %neg3A_326 = arith.constant 0.000000e+00 : f32
      %neg3A_327 = vector.broadcast %neg3A_326 : f32 to vector<16xf32>
      %neg3A_328 = arith.subf %neg3A_327, %add3A_325 : vector<16xf32>
      %add3A_329 = arith.addf %get3A_196, %get3A_202 : vector<16xf32>
      %neg3A_330 = arith.constant 0.000000e+00 : f32
      %neg3A_331 = vector.broadcast %neg3A_330 : f32 to vector<16xf32>
      %neg3A_332 = arith.subf %neg3A_331, %add3A_329 : vector<16xf32>
      %add3A_333 = arith.addf %get3A_199, %get3A_205 : vector<16xf32>
      %neg3A_334 = arith.constant 0.000000e+00 : f32
      %neg3A_335 = vector.broadcast %neg3A_334 : f32 to vector<16xf32>
      %neg3A_336 = arith.subf %neg3A_335, %add3A_333 : vector<16xf32>
      %neg3A_337 = arith.constant 0.000000e+00 : f32
      %neg3A_338 = vector.broadcast %neg3A_337 : f32 to vector<16xf32>
      %neg3A_339 = arith.subf %neg3A_338, %neg3A_324 : vector<16xf32>
      %min3A_340 = arith.minimumf %neg3A_324, %neg3A_339 : vector<16xf32>
      %exp3A_341 = math.exp %min3A_340 : vector<16xf32>
      %max3A_342 = arith.constant 0.000000e+00 : f32
      %max3A_343 = vector.broadcast %max3A_342 : f32 to vector<16xf32>
      %max3A_344 = arith.maximumf %neg3A_324, %max3A_343 : vector<16xf32>
      %mul3A_345 = arith.constant 0.0561769493 : f32
      %mul3A_346 = vector.broadcast %mul3A_345 : f32 to vector<16xf32>
      %mul3A_347 = arith.mulf %exp3A_341, %mul3A_346 : vector<16xf32>
      %add3A_348 = arith.constant -0.184177637 : f32
      %add3A_349 = vector.broadcast %add3A_348 : f32 to vector<16xf32>
      %add3A_350 = arith.addf %add3A_349, %mul3A_347 : vector<16xf32>
      %mul3A_351 = arith.mulf %exp3A_341, %add3A_350 : vector<16xf32>
      %add3A_352 = arith.constant 0.320988953 : f32
      %add3A_353 = vector.broadcast %add3A_352 : f32 to vector<16xf32>
      %add3A_354 = arith.addf %add3A_353, %mul3A_351 : vector<16xf32>
      %mul3A_355 = arith.mulf %exp3A_341, %add3A_354 : vector<16xf32>
      %add3A_356 = arith.constant -0.499440551 : f32
      %add3A_357 = vector.broadcast %add3A_356 : f32 to vector<16xf32>
      %add3A_358 = arith.addf %add3A_357, %mul3A_355 : vector<16xf32>
      %mul3A_359 = arith.mulf %exp3A_341, %add3A_358 : vector<16xf32>
      %add3A_360 = arith.constant 1.000000e+00 : f32
      %add3A_361 = vector.broadcast %add3A_360 : f32 to vector<16xf32>
      %add3A_362 = arith.addf %add3A_361, %mul3A_359 : vector<16xf32>
      %mul3A_363 = arith.mulf %exp3A_341, %add3A_362 : vector<16xf32>
      %add3A_364 = arith.addf %max3A_344, %mul3A_363 : vector<16xf32>
      %add3A_365 = arith.constant 9.99999999E-24 : f32
      %add3A_366 = vector.broadcast %add3A_365 : f32 to vector<16xf32>
      %add3A_367 = arith.addf %add3A_364, %add3A_366 : vector<16xf32>
      %bitcast3A = vector.bitcast %add3A_367 : vector<16xf32> to vector<16xi32>
      %shift_right_arithmetic3A = arith.constant 23 : i32
      %shift_right_arithmetic3A_368 = vector.broadcast %shift_right_arithmetic3A : i32 to vector<16xi32>
      %shift_right_arithmetic3A_369 = arith.shrsi %bitcast3A, %shift_right_arithmetic3A_368 : vector<16xi32>
      %sub3A_370 = arith.constant 127 : i32
      %sub3A_371 = vector.broadcast %sub3A_370 : i32 to vector<16xi32>
      %sub3A_372 = arith.subi %shift_right_arithmetic3A_369, %sub3A_371 : vector<16xi32>
      %and3A = arith.constant 8388607 : i32
      %and3A_373 = vector.broadcast %and3A : i32 to vector<16xi32>
      %and3A_374 = arith.andi %bitcast3A, %and3A_373 : vector<16xi32>
      %or3A = arith.constant 1065353216 : i32
      %or3A_375 = vector.broadcast %or3A : i32 to vector<16xi32>
      %or3A_376 = arith.ori %and3A_374, %or3A_375 : vector<16xi32>
      %bitcast3A_377 = vector.bitcast %or3A_376 : vector<16xi32> to vector<16xf32>
      %sub3A_378 = arith.constant 1.000000e+00 : f32
      %sub3A_379 = vector.broadcast %sub3A_378 : f32 to vector<16xf32>
      %sub3A_380 = arith.subf %bitcast3A_377, %sub3A_379 : vector<16xf32>
      %add3A_381 = arith.constant 1.000000e+00 : f32
      %add3A_382 = vector.broadcast %add3A_381 : f32 to vector<16xf32>
      %add3A_383 = arith.addf %bitcast3A_377, %add3A_382 : vector<16xf32>
      %div3A = arith.divf %sub3A_380, %add3A_383 : vector<16xf32>
      %mul3A_384 = arith.mulf %div3A, %div3A : vector<16xf32>
      %convert_element_type3A = arith.sitofp %sub3A_372 : vector<16xi32> to vector<16xf32>
      %mul3A_385 = arith.constant 0.693147182 : f32
      %mul3A_386 = vector.broadcast %mul3A_385 : f32 to vector<16xf32>
      %mul3A_387 = arith.mulf %mul3A_386, %convert_element_type3A : vector<16xf32>
      %mul3A_388 = arith.constant 0.285714298 : f32
      %mul3A_389 = vector.broadcast %mul3A_388 : f32 to vector<16xf32>
      %mul3A_390 = arith.mulf %mul3A_384, %mul3A_389 : vector<16xf32>
      %add3A_391 = arith.constant 4.000000e-01 : f32
      %add3A_392 = vector.broadcast %add3A_391 : f32 to vector<16xf32>
      %add3A_393 = arith.addf %add3A_392, %mul3A_390 : vector<16xf32>
      %mul3A_394 = arith.mulf %mul3A_384, %add3A_393 : vector<16xf32>
      %add3A_395 = arith.constant 0.666666686 : f32
      %add3A_396 = vector.broadcast %add3A_395 : f32 to vector<16xf32>
      %add3A_397 = arith.addf %add3A_396, %mul3A_394 : vector<16xf32>
      %mul3A_398 = arith.mulf %mul3A_384, %add3A_397 : vector<16xf32>
      %add3A_399 = arith.constant 2.000000e+00 : f32
      %add3A_400 = vector.broadcast %add3A_399 : f32 to vector<16xf32>
      %add3A_401 = arith.addf %add3A_400, %mul3A_398 : vector<16xf32>
      %mul3A_402 = arith.mulf %div3A, %add3A_401 : vector<16xf32>
      %add3A_403 = arith.addf %mul3A_387, %mul3A_402 : vector<16xf32>
      %neg3A_404 = arith.constant 0.000000e+00 : f32
      %neg3A_405 = vector.broadcast %neg3A_404 : f32 to vector<16xf32>
      %neg3A_406 = arith.subf %neg3A_405, %neg3A_328 : vector<16xf32>
      %min3A_407 = arith.minimumf %neg3A_328, %neg3A_406 : vector<16xf32>
      %exp3A_408 = math.exp %min3A_407 : vector<16xf32>
      %max3A_409 = arith.constant 0.000000e+00 : f32
      %max3A_410 = vector.broadcast %max3A_409 : f32 to vector<16xf32>
      %max3A_411 = arith.maximumf %neg3A_328, %max3A_410 : vector<16xf32>
      %mul3A_412 = arith.constant 0.0561769493 : f32
      %mul3A_413 = vector.broadcast %mul3A_412 : f32 to vector<16xf32>
      %mul3A_414 = arith.mulf %exp3A_408, %mul3A_413 : vector<16xf32>
      %add3A_415 = arith.constant -0.184177637 : f32
      %add3A_416 = vector.broadcast %add3A_415 : f32 to vector<16xf32>
      %add3A_417 = arith.addf %add3A_416, %mul3A_414 : vector<16xf32>
      %mul3A_418 = arith.mulf %exp3A_408, %add3A_417 : vector<16xf32>
      %add3A_419 = arith.constant 0.320988953 : f32
      %add3A_420 = vector.broadcast %add3A_419 : f32 to vector<16xf32>
      %add3A_421 = arith.addf %add3A_420, %mul3A_418 : vector<16xf32>
      %mul3A_422 = arith.mulf %exp3A_408, %add3A_421 : vector<16xf32>
      %add3A_423 = arith.constant -0.499440551 : f32
      %add3A_424 = vector.broadcast %add3A_423 : f32 to vector<16xf32>
      %add3A_425 = arith.addf %add3A_424, %mul3A_422 : vector<16xf32>
      %mul3A_426 = arith.mulf %exp3A_408, %add3A_425 : vector<16xf32>
      %add3A_427 = arith.constant 1.000000e+00 : f32
      %add3A_428 = vector.broadcast %add3A_427 : f32 to vector<16xf32>
      %add3A_429 = arith.addf %add3A_428, %mul3A_426 : vector<16xf32>
      %mul3A_430 = arith.mulf %exp3A_408, %add3A_429 : vector<16xf32>
      %add3A_431 = arith.addf %max3A_411, %mul3A_430 : vector<16xf32>
      %add3A_432 = arith.constant 9.99999999E-24 : f32
      %add3A_433 = vector.broadcast %add3A_432 : f32 to vector<16xf32>
      %add3A_434 = arith.addf %add3A_431, %add3A_433 : vector<16xf32>
      %bitcast3A_435 = vector.bitcast %add3A_434 : vector<16xf32> to vector<16xi32>
      %shift_right_arithmetic3A_436 = arith.constant 23 : i32
      %shift_right_arithmetic3A_437 = vector.broadcast %shift_right_arithmetic3A_436 : i32 to vector<16xi32>
      %shift_right_arithmetic3A_438 = arith.shrsi %bitcast3A_435, %shift_right_arithmetic3A_437 : vector<16xi32>
      %sub3A_439 = arith.constant 127 : i32
      %sub3A_440 = vector.broadcast %sub3A_439 : i32 to vector<16xi32>
      %sub3A_441 = arith.subi %shift_right_arithmetic3A_438, %sub3A_440 : vector<16xi32>
      %and3A_442 = arith.constant 8388607 : i32
      %and3A_443 = vector.broadcast %and3A_442 : i32 to vector<16xi32>
      %and3A_444 = arith.andi %bitcast3A_435, %and3A_443 : vector<16xi32>
      %or3A_445 = arith.constant 1065353216 : i32
      %or3A_446 = vector.broadcast %or3A_445 : i32 to vector<16xi32>
      %or3A_447 = arith.ori %and3A_444, %or3A_446 : vector<16xi32>
      %bitcast3A_448 = vector.bitcast %or3A_447 : vector<16xi32> to vector<16xf32>
      %sub3A_449 = arith.constant 1.000000e+00 : f32
      %sub3A_450 = vector.broadcast %sub3A_449 : f32 to vector<16xf32>
      %sub3A_451 = arith.subf %bitcast3A_448, %sub3A_450 : vector<16xf32>
      %add3A_452 = arith.constant 1.000000e+00 : f32
      %add3A_453 = vector.broadcast %add3A_452 : f32 to vector<16xf32>
      %add3A_454 = arith.addf %bitcast3A_448, %add3A_453 : vector<16xf32>
      %div3A_455 = arith.divf %sub3A_451, %add3A_454 : vector<16xf32>
      %mul3A_456 = arith.mulf %div3A_455, %div3A_455 : vector<16xf32>
      %convert_element_type3A_457 = arith.sitofp %sub3A_441 : vector<16xi32> to vector<16xf32>
      %mul3A_458 = arith.constant 0.693147182 : f32
      %mul3A_459 = vector.broadcast %mul3A_458 : f32 to vector<16xf32>
      %mul3A_460 = arith.mulf %mul3A_459, %convert_element_type3A_457 : vector<16xf32>
      %mul3A_461 = arith.constant 0.285714298 : f32
      %mul3A_462 = vector.broadcast %mul3A_461 : f32 to vector<16xf32>
      %mul3A_463 = arith.mulf %mul3A_456, %mul3A_462 : vector<16xf32>
      %add3A_464 = arith.constant 4.000000e-01 : f32
      %add3A_465 = vector.broadcast %add3A_464 : f32 to vector<16xf32>
      %add3A_466 = arith.addf %add3A_465, %mul3A_463 : vector<16xf32>
      %mul3A_467 = arith.mulf %mul3A_456, %add3A_466 : vector<16xf32>
      %add3A_468 = arith.constant 0.666666686 : f32
      %add3A_469 = vector.broadcast %add3A_468 : f32 to vector<16xf32>
      %add3A_470 = arith.addf %add3A_469, %mul3A_467 : vector<16xf32>
      %mul3A_471 = arith.mulf %mul3A_456, %add3A_470 : vector<16xf32>
      %add3A_472 = arith.constant 2.000000e+00 : f32
      %add3A_473 = vector.broadcast %add3A_472 : f32 to vector<16xf32>
      %add3A_474 = arith.addf %add3A_473, %mul3A_471 : vector<16xf32>
      %mul3A_475 = arith.mulf %div3A_455, %add3A_474 : vector<16xf32>
      %add3A_476 = arith.addf %mul3A_460, %mul3A_475 : vector<16xf32>
      %add3A_477 = arith.addf %add3A_403, %add3A_476 : vector<16xf32>
      %neg3A_478 = arith.constant 0.000000e+00 : f32
      %neg3A_479 = vector.broadcast %neg3A_478 : f32 to vector<16xf32>
      %neg3A_480 = arith.subf %neg3A_479, %neg3A_332 : vector<16xf32>
      %min3A_481 = arith.minimumf %neg3A_332, %neg3A_480 : vector<16xf32>
      %exp3A_482 = math.exp %min3A_481 : vector<16xf32>
      %max3A_483 = arith.constant 0.000000e+00 : f32
      %max3A_484 = vector.broadcast %max3A_483 : f32 to vector<16xf32>
      %max3A_485 = arith.maximumf %neg3A_332, %max3A_484 : vector<16xf32>
      %mul3A_486 = arith.constant 0.0561769493 : f32
      %mul3A_487 = vector.broadcast %mul3A_486 : f32 to vector<16xf32>
      %mul3A_488 = arith.mulf %exp3A_482, %mul3A_487 : vector<16xf32>
      %add3A_489 = arith.constant -0.184177637 : f32
      %add3A_490 = vector.broadcast %add3A_489 : f32 to vector<16xf32>
      %add3A_491 = arith.addf %add3A_490, %mul3A_488 : vector<16xf32>
      %mul3A_492 = arith.mulf %exp3A_482, %add3A_491 : vector<16xf32>
      %add3A_493 = arith.constant 0.320988953 : f32
      %add3A_494 = vector.broadcast %add3A_493 : f32 to vector<16xf32>
      %add3A_495 = arith.addf %add3A_494, %mul3A_492 : vector<16xf32>
      %mul3A_496 = arith.mulf %exp3A_482, %add3A_495 : vector<16xf32>
      %add3A_497 = arith.constant -0.499440551 : f32
      %add3A_498 = vector.broadcast %add3A_497 : f32 to vector<16xf32>
      %add3A_499 = arith.addf %add3A_498, %mul3A_496 : vector<16xf32>
      %mul3A_500 = arith.mulf %exp3A_482, %add3A_499 : vector<16xf32>
      %add3A_501 = arith.constant 1.000000e+00 : f32
      %add3A_502 = vector.broadcast %add3A_501 : f32 to vector<16xf32>
      %add3A_503 = arith.addf %add3A_502, %mul3A_500 : vector<16xf32>
      %mul3A_504 = arith.mulf %exp3A_482, %add3A_503 : vector<16xf32>
      %add3A_505 = arith.addf %max3A_485, %mul3A_504 : vector<16xf32>
      %add3A_506 = arith.constant 9.99999999E-24 : f32
      %add3A_507 = vector.broadcast %add3A_506 : f32 to vector<16xf32>
      %add3A_508 = arith.addf %add3A_505, %add3A_507 : vector<16xf32>
      %bitcast3A_509 = vector.bitcast %add3A_508 : vector<16xf32> to vector<16xi32>
      %shift_right_arithmetic3A_510 = arith.constant 23 : i32
      %shift_right_arithmetic3A_511 = vector.broadcast %shift_right_arithmetic3A_510 : i32 to vector<16xi32>
      %shift_right_arithmetic3A_512 = arith.shrsi %bitcast3A_509, %shift_right_arithmetic3A_511 : vector<16xi32>
      %sub3A_513 = arith.constant 127 : i32
      %sub3A_514 = vector.broadcast %sub3A_513 : i32 to vector<16xi32>
      %sub3A_515 = arith.subi %shift_right_arithmetic3A_512, %sub3A_514 : vector<16xi32>
      %and3A_516 = arith.constant 8388607 : i32
      %and3A_517 = vector.broadcast %and3A_516 : i32 to vector<16xi32>
      %and3A_518 = arith.andi %bitcast3A_509, %and3A_517 : vector<16xi32>
      %or3A_519 = arith.constant 1065353216 : i32
      %or3A_520 = vector.broadcast %or3A_519 : i32 to vector<16xi32>
      %or3A_521 = arith.ori %and3A_518, %or3A_520 : vector<16xi32>
      %bitcast3A_522 = vector.bitcast %or3A_521 : vector<16xi32> to vector<16xf32>
      %sub3A_523 = arith.constant 1.000000e+00 : f32
      %sub3A_524 = vector.broadcast %sub3A_523 : f32 to vector<16xf32>
      %sub3A_525 = arith.subf %bitcast3A_522, %sub3A_524 : vector<16xf32>
      %add3A_526 = arith.constant 1.000000e+00 : f32
      %add3A_527 = vector.broadcast %add3A_526 : f32 to vector<16xf32>
      %add3A_528 = arith.addf %bitcast3A_522, %add3A_527 : vector<16xf32>
      %div3A_529 = arith.divf %sub3A_525, %add3A_528 : vector<16xf32>
      %mul3A_530 = arith.mulf %div3A_529, %div3A_529 : vector<16xf32>
      %convert_element_type3A_531 = arith.sitofp %sub3A_515 : vector<16xi32> to vector<16xf32>
      %mul3A_532 = arith.constant 0.693147182 : f32
      %mul3A_533 = vector.broadcast %mul3A_532 : f32 to vector<16xf32>
      %mul3A_534 = arith.mulf %mul3A_533, %convert_element_type3A_531 : vector<16xf32>
      %mul3A_535 = arith.constant 0.285714298 : f32
      %mul3A_536 = vector.broadcast %mul3A_535 : f32 to vector<16xf32>
      %mul3A_537 = arith.mulf %mul3A_530, %mul3A_536 : vector<16xf32>
      %add3A_538 = arith.constant 4.000000e-01 : f32
      %add3A_539 = vector.broadcast %add3A_538 : f32 to vector<16xf32>
      %add3A_540 = arith.addf %add3A_539, %mul3A_537 : vector<16xf32>
      %mul3A_541 = arith.mulf %mul3A_530, %add3A_540 : vector<16xf32>
      %add3A_542 = arith.constant 0.666666686 : f32
      %add3A_543 = vector.broadcast %add3A_542 : f32 to vector<16xf32>
      %add3A_544 = arith.addf %add3A_543, %mul3A_541 : vector<16xf32>
      %mul3A_545 = arith.mulf %mul3A_530, %add3A_544 : vector<16xf32>
      %add3A_546 = arith.constant 2.000000e+00 : f32
      %add3A_547 = vector.broadcast %add3A_546 : f32 to vector<16xf32>
      %add3A_548 = arith.addf %add3A_547, %mul3A_545 : vector<16xf32>
      %mul3A_549 = arith.mulf %div3A_529, %add3A_548 : vector<16xf32>
      %add3A_550 = arith.addf %mul3A_534, %mul3A_549 : vector<16xf32>
      %sub3A_551 = arith.subf %add3A_477, %add3A_550 : vector<16xf32>
      %neg3A_552 = arith.constant 0.000000e+00 : f32
      %neg3A_553 = vector.broadcast %neg3A_552 : f32 to vector<16xf32>
      %neg3A_554 = arith.subf %neg3A_553, %neg3A_336 : vector<16xf32>
      %min3A_555 = arith.minimumf %neg3A_336, %neg3A_554 : vector<16xf32>
      %exp3A_556 = math.exp %min3A_555 : vector<16xf32>
      %max3A_557 = arith.constant 0.000000e+00 : f32
      %max3A_558 = vector.broadcast %max3A_557 : f32 to vector<16xf32>
      %max3A_559 = arith.maximumf %neg3A_336, %max3A_558 : vector<16xf32>
      %mul3A_560 = arith.constant 0.0561769493 : f32
      %mul3A_561 = vector.broadcast %mul3A_560 : f32 to vector<16xf32>
      %mul3A_562 = arith.mulf %exp3A_556, %mul3A_561 : vector<16xf32>
      %add3A_563 = arith.constant -0.184177637 : f32
      %add3A_564 = vector.broadcast %add3A_563 : f32 to vector<16xf32>
      %add3A_565 = arith.addf %add3A_564, %mul3A_562 : vector<16xf32>
      %mul3A_566 = arith.mulf %exp3A_556, %add3A_565 : vector<16xf32>
      %add3A_567 = arith.constant 0.320988953 : f32
      %add3A_568 = vector.broadcast %add3A_567 : f32 to vector<16xf32>
      %add3A_569 = arith.addf %add3A_568, %mul3A_566 : vector<16xf32>
      %mul3A_570 = arith.mulf %exp3A_556, %add3A_569 : vector<16xf32>
      %add3A_571 = arith.constant -0.499440551 : f32
      %add3A_572 = vector.broadcast %add3A_571 : f32 to vector<16xf32>
      %add3A_573 = arith.addf %add3A_572, %mul3A_570 : vector<16xf32>
      %mul3A_574 = arith.mulf %exp3A_556, %add3A_573 : vector<16xf32>
      %add3A_575 = arith.constant 1.000000e+00 : f32
      %add3A_576 = vector.broadcast %add3A_575 : f32 to vector<16xf32>
      %add3A_577 = arith.addf %add3A_576, %mul3A_574 : vector<16xf32>
      %mul3A_578 = arith.mulf %exp3A_556, %add3A_577 : vector<16xf32>
      %add3A_579 = arith.addf %max3A_559, %mul3A_578 : vector<16xf32>
      %add3A_580 = arith.constant 9.99999999E-24 : f32
      %add3A_581 = vector.broadcast %add3A_580 : f32 to vector<16xf32>
      %add3A_582 = arith.addf %add3A_579, %add3A_581 : vector<16xf32>
      %bitcast3A_583 = vector.bitcast %add3A_582 : vector<16xf32> to vector<16xi32>
      %shift_right_arithmetic3A_584 = arith.constant 23 : i32
      %shift_right_arithmetic3A_585 = vector.broadcast %shift_right_arithmetic3A_584 : i32 to vector<16xi32>
      %shift_right_arithmetic3A_586 = arith.shrsi %bitcast3A_583, %shift_right_arithmetic3A_585 : vector<16xi32>
      %sub3A_587 = arith.constant 127 : i32
      %sub3A_588 = vector.broadcast %sub3A_587 : i32 to vector<16xi32>
      %sub3A_589 = arith.subi %shift_right_arithmetic3A_586, %sub3A_588 : vector<16xi32>
      %and3A_590 = arith.constant 8388607 : i32
      %and3A_591 = vector.broadcast %and3A_590 : i32 to vector<16xi32>
      %and3A_592 = arith.andi %bitcast3A_583, %and3A_591 : vector<16xi32>
      %or3A_593 = arith.constant 1065353216 : i32
      %or3A_594 = vector.broadcast %or3A_593 : i32 to vector<16xi32>
      %or3A_595 = arith.ori %and3A_592, %or3A_594 : vector<16xi32>
      %bitcast3A_596 = vector.bitcast %or3A_595 : vector<16xi32> to vector<16xf32>
      %sub3A_597 = arith.constant 1.000000e+00 : f32
      %sub3A_598 = vector.broadcast %sub3A_597 : f32 to vector<16xf32>
      %sub3A_599 = arith.subf %bitcast3A_596, %sub3A_598 : vector<16xf32>
      %add3A_600 = arith.constant 1.000000e+00 : f32
      %add3A_601 = vector.broadcast %add3A_600 : f32 to vector<16xf32>
      %add3A_602 = arith.addf %bitcast3A_596, %add3A_601 : vector<16xf32>
      %div3A_603 = arith.divf %sub3A_599, %add3A_602 : vector<16xf32>
      %mul3A_604 = arith.mulf %div3A_603, %div3A_603 : vector<16xf32>
      %convert_element_type3A_605 = arith.sitofp %sub3A_589 : vector<16xi32> to vector<16xf32>
      %mul3A_606 = arith.constant 0.693147182 : f32
      %mul3A_607 = vector.broadcast %mul3A_606 : f32 to vector<16xf32>
      %mul3A_608 = arith.mulf %mul3A_607, %convert_element_type3A_605 : vector<16xf32>
      %mul3A_609 = arith.constant 0.285714298 : f32
      %mul3A_610 = vector.broadcast %mul3A_609 : f32 to vector<16xf32>
      %mul3A_611 = arith.mulf %mul3A_604, %mul3A_610 : vector<16xf32>
      %add3A_612 = arith.constant 4.000000e-01 : f32
      %add3A_613 = vector.broadcast %add3A_612 : f32 to vector<16xf32>
      %add3A_614 = arith.addf %add3A_613, %mul3A_611 : vector<16xf32>
      %mul3A_615 = arith.mulf %mul3A_604, %add3A_614 : vector<16xf32>
      %add3A_616 = arith.constant 0.666666686 : f32
      %add3A_617 = vector.broadcast %add3A_616 : f32 to vector<16xf32>
      %add3A_618 = arith.addf %add3A_617, %mul3A_615 : vector<16xf32>
      %mul3A_619 = arith.mulf %mul3A_604, %add3A_618 : vector<16xf32>
      %add3A_620 = arith.constant 2.000000e+00 : f32
      %add3A_621 = vector.broadcast %add3A_620 : f32 to vector<16xf32>
      %add3A_622 = arith.addf %add3A_621, %mul3A_619 : vector<16xf32>
      %mul3A_623 = arith.mulf %div3A_603, %add3A_622 : vector<16xf32>
      %add3A_624 = arith.addf %mul3A_608, %mul3A_623 : vector<16xf32>
      %sub3A_625 = arith.subf %sub3A_551, %add3A_624 : vector<16xf32>
      %and3A_626 = arith.constant 15 : i32
      %and3A_627 = arith.andi %scan3A_175, %and3A_626 : i32
      %eq3A = vector.broadcast %and3A_627 : i32 to vector<16xi32>
      %eq3A_628 = arith.cmpi eq, %iota3A, %eq3A : vector<16xi32>
      %reduce_sum3A = arith.constant true
      %reduce_sum3A_629 = vector.broadcast %reduce_sum3A : i1 to vector<16xi1>
      %reduce_sum3A_630 = tpu.scan <sum>, %sub3A_625 masked %reduce_sum3A_629 : vector<16xf32>, vector<16xi1> -> vector<16xf32>
      %reduce_sum3A_631 = vector.extract %reduce_sum3A_630[15] : f32 from vector<16xf32>
      %broadcast_in_dim3A_632 = vector.broadcast %reduce_sum3A_631 : f32 to vector<16xf32>
      %select_n3A = arith.select %eq3A_628, %broadcast_in_dim3A_632, %scan3A_176 : vector<16xi1>, vector<16xf32>
      %and3A_633 = arith.constant 15 : i32
      %and3A_634 = arith.andi %scan3A_175, %and3A_633 : i32
      %eq3A_635 = arith.constant 15 : i32
      %eq3A_636 = arith.cmpi eq, %and3A_634, %eq3A_635 : i32
      %convert_element_type3A_637 = arith.extui %eq3A_636 : i1 to i32
      %cond3A = arith.constant 0 : i32
      %cond3A_638 = arith.cmpi ne, %convert_element_type3A_637, %cond3A : i32
      scf.if %cond3A_638 {
        %add3A_639 = arith.constant 0 : i32
        %add3A_640 = arith.addi %add3A_639, %scan3A_175 : i32
        %sub3A_641 = arith.constant 15 : i32
        %sub3A_642 = arith.subi %add3A_640, %sub3A_641 : i32
        %swap3A = arith.index_cast %sub3A_642 : i32 to index
        %swap3A_643 = tpu.vector_load %arg7[%swap3A] {strides = array<i32>} : memref<512xf32, #tpu.memory_space<vmem>>, vector<16xf32>,
        tpu.vector_store %arg7[%swap3A], %select_n3A {strides = array<i32>} : memref<512xf32, #tpu.memory_space<vmem>>, vector<16xf32>,
      } else {
      }
      scf.yield %select_n3A : vector<16xf32>
    }
    %scan3A_84 = arith.constant 256 : i32
    %dma_start3A_85 = arith.constant 4 : i32
    %dma_start3A_86 = arith.constant 0 : i32
    %dma_start3A_87 = arith.constant 0 : i32
    %dma_start3A_88 = tpu.memref_slice %arg6[%dma_start3A_86, %dma_start3A_87] : memref<512x128xf32, #tpu.memory_space<vmem>> -> memref<128x128xf32, #tpu.memory_space<vmem>>
    %dma_start3A_89 = arith.constant 0 : i32
    %dma_start3A_90 = tpu.memref_slice %arg5[%dma_start3A_85, %dma_start3A_89] : memref<8x128xi32, #tpu.memory_space<vmem>> -> memref<1x128xi32, #tpu.memory_space<vmem>>
    %dma_start3A_91 = tpu.memref_squeeze %dma_start3A_90 : memref<1x128xi32, #tpu.memory_space<vmem>> -> memref<128xi32, #tpu.memory_space<vmem>>
    %dma_start3A_92 = arith.constant 0 : i32
    %dma_start3A_93 = arith.constant 0 : i32
    %dma_start3A_94 = tpu.memref_slice %arg2[%dma_start3A_92, %dma_start3A_93] : memref<1010688x128xf32, #tpu.memory_space<hbm>> -> memref<1010688x128xf32, #tpu.memory_space<hbm>>
    tpu.enqueue_indirect_dma source(%dma_start3A_94 : memref<1010688x128xf32, #tpu.memory_space<hbm>>) target(%dma_start3A_88 : memref<128x128xf32, #tpu.memory_space<vmem>>) offsets(%dma_start3A_91 : memref<128xi32, #tpu.memory_space<vmem>>) semaphore(%arg8 : memref<!tpu.dma_semaphore, #tpu.memory_space<semaphore_mem>>)
    %dma_start3A_95 = arith.constant 5 : i32
    %dma_start3A_96 = arith.constant 128 : i32
    %dma_start3A_97 = arith.constant 0 : i32
    %dma_start3A_98 = tpu.memref_slice %arg6[%dma_start3A_96, %dma_start3A_97] : memref<512x128xf32, #tpu.memory_space<vmem>> -> memref<128x128xf32, #tpu.memory_space<vmem>>
    %dma_start3A_99 = arith.constant 0 : i32
    %dma_start3A_100 = tpu.memref_slice %arg5[%dma_start3A_95, %dma_start3A_99] : memref<8x128xi32, #tpu.memory_space<vmem>> -> memref<1x128xi32, #tpu.memory_space<vmem>>
    %dma_start3A_101 = tpu.memref_squeeze %dma_start3A_100 : memref<1x128xi32, #tpu.memory_space<vmem>> -> memref<128xi32, #tpu.memory_space<vmem>>
    %dma_start3A_102 = arith.constant 0 : i32
    %dma_start3A_103 = arith.constant 0 : i32
    %dma_start3A_104 = tpu.memref_slice %arg2[%dma_start3A_102, %dma_start3A_103] : memref<1010688x128xf32, #tpu.memory_space<hbm>> -> memref<1010688x128xf32, #tpu.memory_space<hbm>>
    tpu.enqueue_indirect_dma source(%dma_start3A_104 : memref<1010688x128xf32, #tpu.memory_space<hbm>>) target(%dma_start3A_98 : memref<128x128xf32, #tpu.memory_space<vmem>>) offsets(%dma_start3A_101 : memref<128xi32, #tpu.memory_space<vmem>>) semaphore(%arg8 : memref<!tpu.dma_semaphore, #tpu.memory_space<semaphore_mem>>)
    %dma_start3A_105 = arith.constant 6 : i32
    %dma_start3A_106 = arith.constant 256 : i32
    %dma_start3A_107 = arith.constant 0 : i32
    %dma_start3A_108 = tpu.memref_slice %arg6[%dma_start3A_106, %dma_start3A_107] : memref<512x128xf32, #tpu.memory_space<vmem>> -> memref<128x128xf32, #tpu.memory_space<vmem>>
    %dma_start3A_109 = arith.constant 0 : i32
    %dma_start3A_110 = tpu.memref_slice %arg5[%dma_start3A_105, %dma_start3A_109] : memref<8x128xi32, #tpu.memory_space<vmem>> -> memref<1x128xi32, #tpu.memory_space<vmem>>
    %dma_start3A_111 = tpu.memref_squeeze %dma_start3A_110 : memref<1x128xi32, #tpu.memory_space<vmem>> -> memref<128xi32, #tpu.memory_space<vmem>>
    %dma_start3A_112 = arith.constant 0 : i32
    %dma_start3A_113 = arith.constant 0 : i32
    %dma_start3A_114 = tpu.memref_slice %arg2[%dma_start3A_112, %dma_start3A_113] : memref<1010688x128xf32, #tpu.memory_space<hbm>> -> memref<1010688x128xf32, #tpu.memory_space<hbm>>
    tpu.enqueue_indirect_dma source(%dma_start3A_114 : memref<1010688x128xf32, #tpu.memory_space<hbm>>) target(%dma_start3A_108 : memref<128x128xf32, #tpu.memory_space<vmem>>) offsets(%dma_start3A_111 : memref<128xi32, #tpu.memory_space<vmem>>) semaphore(%arg8 : memref<!tpu.dma_semaphore, #tpu.memory_space<semaphore_mem>>)
    %dma_start3A_115 = arith.constant 7 : i32
    %dma_start3A_116 = arith.constant 384 : i32
    %dma_start3A_117 = arith.constant 0 : i32
    %dma_start3A_118 = tpu.memref_slice %arg6[%dma_start3A_116, %dma_start3A_117] : memref<512x128xf32, #tpu.memory_space<vmem>> -> memref<128x128xf32, #tpu.memory_space<vmem>>
    %dma_start3A_119 = arith.constant 0 : i32
    %dma_start3A_120 = tpu.memref_slice %arg5[%dma_start3A_115, %dma_start3A_119] : memref<8x128xi32, #tpu.memory_space<vmem>> -> memref<1x128xi32, #tpu.memory_space<vmem>>
    %dma_start3A_121 = tpu.memref_squeeze %dma_start3A_120 : memref<1x128xi32, #tpu.memory_space<vmem>> -> memref<128xi32, #tpu.memory_space<vmem>>
    %dma_start3A_122 = arith.constant 0 : i32
    %dma_start3A_123 = arith.constant 0 : i32
    %dma_start3A_124 = tpu.memref_slice %arg2[%dma_start3A_122, %dma_start3A_123] : memref<1010688x128xf32, #tpu.memory_space<hbm>> -> memref<1010688x128xf32, #tpu.memory_space<hbm>>
    tpu.enqueue_indirect_dma source(%dma_start3A_124 : memref<1010688x128xf32, #tpu.memory_space<hbm>>) target(%dma_start3A_118 : memref<128x128xf32, #tpu.memory_space<vmem>>) offsets(%dma_start3A_121 : memref<128xi32, #tpu.memory_space<vmem>>) semaphore(%arg8 : memref<!tpu.dma_semaphore, #tpu.memory_space<semaphore_mem>>)
    %dma_wait3A_125 = arith.constant 4 : i32
    %dma_wait3A_126 = arith.constant 0 : i32
    %dma_wait3A_127 = arith.constant 0 : i32
    %dma_wait3A_128 = tpu.memref_slice %arg6[%dma_wait3A_126, %dma_wait3A_127] : memref<512x128xf32, #tpu.memory_space<vmem>> -> memref<128x128xf32, #tpu.memory_space<vmem>>
    %dma_wait3A_129 = arith.constant 0 : i32
    %dma_wait3A_130 = tpu.memref_slice %arg5[%dma_wait3A_125, %dma_wait3A_129] : memref<8x128xi32, #tpu.memory_space<vmem>> -> memref<1x128xi32, #tpu.memory_space<vmem>>
    %dma_wait3A_131 = tpu.memref_squeeze %dma_wait3A_130 : memref<1x128xi32, #tpu.memory_space<vmem>> -> memref<128xi32, #tpu.memory_space<vmem>>
    %dma_wait3A_132 = arith.constant 0 : i32
    %dma_wait3A_133 = arith.constant 0 : i32
    %dma_wait3A_134 = tpu.memref_slice %arg2[%dma_wait3A_132, %dma_wait3A_133] : memref<1010688x128xf32, #tpu.memory_space<hbm>> -> memref<1010688x128xf32, #tpu.memory_space<hbm>>
    tpu.wait_indirect_dma semaphore(%arg8 : memref<!tpu.dma_semaphore, #tpu.memory_space<semaphore_mem>>) src(%dma_wait3A_134 : memref<1010688x128xf32, #tpu.memory_space<hbm>>) dst(%dma_wait3A_128 : memref<128x128xf32, #tpu.memory_space<vmem>>)
    %dma_wait3A_135 = arith.constant 5 : i32
    %dma_wait3A_136 = arith.constant 128 : i32
    %dma_wait3A_137 = arith.constant 0 : i32
    %dma_wait3A_138 = tpu.memref_slice %arg6[%dma_wait3A_136, %dma_wait3A_137] : memref<512x128xf32, #tpu.memory_space<vmem>> -> memref<128x128xf32, #tpu.memory_space<vmem>>
    %dma_wait3A_139 = arith.constant 0 : i32
    %dma_wait3A_140 = tpu.memref_slice %arg5[%dma_wait3A_135, %dma_wait3A_139] : memref<8x128xi32, #tpu.memory_space<vmem>> -> memref<1x128xi32, #tpu.memory_space<vmem>>
    %dma_wait3A_141 = tpu.memref_squeeze %dma_wait3A_140 : memref<1x128xi32, #tpu.memory_space<vmem>> -> memref<128xi32, #tpu.memory_space<vmem>>
    %dma_wait3A_142 = arith.constant 0 : i32
    %dma_wait3A_143 = arith.constant 0 : i32
    %dma_wait3A_144 = tpu.memref_slice %arg2[%dma_wait3A_142, %dma_wait3A_143] : memref<1010688x128xf32, #tpu.memory_space<hbm>> -> memref<1010688x128xf32, #tpu.memory_space<hbm>>
    tpu.wait_indirect_dma semaphore(%arg8 : memref<!tpu.dma_semaphore, #tpu.memory_space<semaphore_mem>>) src(%dma_wait3A_144 : memref<1010688x128xf32, #tpu.memory_space<hbm>>) dst(%dma_wait3A_138 : memref<128x128xf32, #tpu.memory_space<vmem>>)
    %dma_wait3A_145 = arith.constant 6 : i32
    %dma_wait3A_146 = arith.constant 256 : i32
    %dma_wait3A_147 = arith.constant 0 : i32
    %dma_wait3A_148 = tpu.memref_slice %arg6[%dma_wait3A_146, %dma_wait3A_147] : memref<512x128xf32, #tpu.memory_space<vmem>> -> memref<128x128xf32, #tpu.memory_space<vmem>>
    %dma_wait3A_149 = arith.constant 0 : i32
    %dma_wait3A_150 = tpu.memref_slice %arg5[%dma_wait3A_145, %dma_wait3A_149] : memref<8x128xi32, #tpu.memory_space<vmem>> -> memref<1x128xi32, #tpu.memory_space<vmem>>
    %dma_wait3A_151 = tpu.memref_squeeze %dma_wait3A_150 : memref<1x128xi32, #tpu.memory_space<vmem>> -> memref<128xi32, #tpu.memory_space<vmem>>
    %dma_wait3A_152 = arith.constant 0 : i32
    %dma_wait3A_153 = arith.constant 0 : i32
    %dma_wait3A_154 = tpu.memref_slice %arg2[%dma_wait3A_152, %dma_wait3A_153] : memref<1010688x128xf32, #tpu.memory_space<hbm>> -> memref<1010688x128xf32, #tpu.memory_space<hbm>>
    tpu.wait_indirect_dma semaphore(%arg8 : memref<!tpu.dma_semaphore, #tpu.memory_space<semaphore_mem>>) src(%dma_wait3A_154 : memref<1010688x128xf32, #tpu.memory_space<hbm>>) dst(%dma_wait3A_148 : memref<128x128xf32, #tpu.memory_space<vmem>>)
    %dma_wait3A_155 = arith.constant 7 : i32
    %dma_wait3A_156 = arith.constant 384 : i32
    %dma_wait3A_157 = arith.constant 0 : i32
    %dma_wait3A_158 = tpu.memref_slice %arg6[%dma_wait3A_156, %dma_wait3A_157] : memref<512x128xf32, #tpu.memory_space<vmem>> -> memref<128x128xf32, #tpu.memory_space<vmem>>
    %dma_wait3A_159 = arith.constant 0 : i32
    %dma_wait3A_160 = tpu.memref_slice %arg5[%dma_wait3A_155, %dma_wait3A_159] : memref<8x128xi32, #tpu.memory_space<vmem>> -> memref<1x128xi32, #tpu.memory_space<vmem>>
    %dma_wait3A_161 = tpu.memref_squeeze %dma_wait3A_160 : memref<1x128xi32, #tpu.memory_space<vmem>> -> memref<128xi32, #tpu.memory_space<vmem>>
    %dma_wait3A_162 = arith.constant 0 : i32
    %dma_wait3A_163 = arith.constant 0 : i32
    %dma_wait3A_164 = tpu.memref_slice %arg2[%dma_wait3A_162, %dma_wait3A_163] : memref<1010688x128xf32, #tpu.memory_space<hbm>> -> memref<1010688x128xf32, #tpu.memory_space<hbm>>
    tpu.wait_indirect_dma semaphore(%arg8 : memref<!tpu.dma_semaphore, #tpu.memory_space<semaphore_mem>>) src(%dma_wait3A_164 : memref<1010688x128xf32, #tpu.memory_space<hbm>>) dst(%dma_wait3A_158 : memref<128x128xf32, #tpu.memory_space<vmem>>)
    %broadcast_in_dim3A_165 = arith.constant 0.000000e+00 : f32
    %broadcast_in_dim3A_166 = vector.broadcast %broadcast_in_dim3A_165 : f32 to vector<16xf32>
    %scan3A_167 = arith.constant 0 : i32
    %scan3A_168 = arith.constant 256 : i32
    %scan3A_169 = arith.addi %scan3A_167, %scan3A_168 : i32
    %scan3A_170 = arith.constant 1 : i32
    %scan3A_171 = scf.for %scan3A_175 = %scan3A_167 to %scan3A_169 step %scan3A_170 iter_args(%scan3A_176 = %broadcast_in_dim3A_166) -> (vector<16xf32>)  : i32 {
      %mul3A_177 = arith.constant 2 : i32
      %mul3A_178 = arith.muli %mul3A_177, %scan3A_175 : i32
      %mul3A_179 = arith.constant 2 : i32
      %mul3A_180 = arith.muli %mul3A_179, %scan3A_175 : i32
      %add3A_181 = arith.constant 1 : i32
      %add3A_182 = arith.addi %mul3A_180, %add3A_181 : i32
      %get3A = arith.index_cast %mul3A_178 : i32 to index
      %get3A_183 = arith.constant 0 : index
      %get3A_184 = tpu.vector_load %arg6[%get3A, %get3A_183] {strides = array<i32>} : memref<512x128xf32, #tpu.memory_space<vmem>>, vector<16xf32>,
      %get3A_185 = arith.index_cast %mul3A_178 : i32 to index
      %get3A_186 = arith.constant 16 : index
      %get3A_187 = tpu.vector_load %arg6[%get3A_185, %get3A_186] {strides = array<i32>} : memref<512x128xf32, #tpu.memory_space<vmem>>, vector<16xf32>,
      %get3A_188 = arith.index_cast %mul3A_178 : i32 to index
      %get3A_189 = arith.constant 32 : index
      %get3A_190 = tpu.vector_load %arg6[%get3A_188, %get3A_189] {strides = array<i32>} : memref<512x128xf32, #tpu.memory_space<vmem>>, vector<16xf32>,
      %get3A_191 = arith.index_cast %mul3A_178 : i32 to index
      %get3A_192 = arith.constant 48 : index
      %get3A_193 = tpu.vector_load %arg6[%get3A_191, %get3A_192] {strides = array<i32>} : memref<512x128xf32, #tpu.memory_space<vmem>>, vector<16xf32>,
      %get3A_194 = arith.index_cast %add3A_182 : i32 to index
      %get3A_195 = arith.constant 0 : index
      %get3A_196 = tpu.vector_load %arg6[%get3A_194, %get3A_195] {strides = array<i32>} : memref<512x128xf32, #tpu.memory_space<vmem>>, vector<16xf32>,
      %get3A_197 = arith.index_cast %add3A_182 : i32 to index
      %get3A_198 = arith.constant 16 : index
      %get3A_199 = tpu.vector_load %arg6[%get3A_197, %get3A_198] {strides = array<i32>} : memref<512x128xf32, #tpu.memory_space<vmem>>, vector<16xf32>,
      %get3A_200 = arith.index_cast %add3A_182 : i32 to index
      %get3A_201 = arith.constant 32 : index
      %get3A_202 = tpu.vector_load %arg6[%get3A_200, %get3A_201] {strides = array<i32>} : memref<512x128xf32, #tpu.memory_space<vmem>>, vector<16xf32>,
      %get3A_203 = arith.index_cast %add3A_182 : i32 to index
      %get3A_204 = arith.constant 48 : index
      %get3A_205 = tpu.vector_load %arg6[%get3A_203, %get3A_204] {strides = array<i32>} : memref<512x128xf32, #tpu.memory_space<vmem>>, vector<16xf32>,
      %max3A = arith.maximumf %get3A_184, %get3A_196 : vector<16xf32>
      %min3A = arith.minimumf %get3A_184, %get3A_196 : vector<16xf32>
      %sub3A = arith.subf %min3A, %max3A : vector<16xf32>
      %mul3A_206 = arith.constant 1.000000e+02 : f32
      %mul3A_207 = vector.broadcast %mul3A_206 : f32 to vector<16xf32>
      %mul3A_208 = arith.mulf %sub3A, %mul3A_207 : vector<16xf32>
      %exp3A = math.exp %mul3A_208 : vector<16xf32>
      %mul3A_209 = arith.constant 0.0561769493 : f32
      %mul3A_210 = vector.broadcast %mul3A_209 : f32 to vector<16xf32>
      %mul3A_211 = arith.mulf %exp3A, %mul3A_210 : vector<16xf32>
      %add3A_212 = arith.constant -0.184177637 : f32
      %add3A_213 = vector.broadcast %add3A_212 : f32 to vector<16xf32>
      %add3A_214 = arith.addf %add3A_213, %mul3A_211 : vector<16xf32>
      %mul3A_215 = arith.mulf %exp3A, %add3A_214 : vector<16xf32>
      %add3A_216 = arith.constant 0.320988953 : f32
      %add3A_217 = vector.broadcast %add3A_216 : f32 to vector<16xf32>
      %add3A_218 = arith.addf %add3A_217, %mul3A_215 : vector<16xf32>
      %mul3A_219 = arith.mulf %exp3A, %add3A_218 : vector<16xf32>
      %add3A_220 = arith.constant -0.499440551 : f32
      %add3A_221 = vector.broadcast %add3A_220 : f32 to vector<16xf32>
      %add3A_222 = arith.addf %add3A_221, %mul3A_219 : vector<16xf32>
      %mul3A_223 = arith.mulf %exp3A, %add3A_222 : vector<16xf32>
      %add3A_224 = arith.constant 1.000000e+00 : f32
      %add3A_225 = vector.broadcast %add3A_224 : f32 to vector<16xf32>
      %add3A_226 = arith.addf %add3A_225, %mul3A_223 : vector<16xf32>
      %mul3A_227 = arith.mulf %exp3A, %add3A_226 : vector<16xf32>
      %mul3A_228 = arith.constant 0.00999999977 : f32
      %mul3A_229 = vector.broadcast %mul3A_228 : f32 to vector<16xf32>
      %mul3A_230 = arith.mulf %mul3A_229, %mul3A_227 : vector<16xf32>
      %add3A_231 = arith.addf %max3A, %mul3A_230 : vector<16xf32>
      %max3A_232 = arith.maximumf %get3A_187, %get3A_199 : vector<16xf32>
      %min3A_233 = arith.minimumf %get3A_187, %get3A_199 : vector<16xf32>
      %sub3A_234 = arith.subf %min3A_233, %max3A_232 : vector<16xf32>
      %mul3A_235 = arith.constant 1.000000e+02 : f32
      %mul3A_236 = vector.broadcast %mul3A_235 : f32 to vector<16xf32>
      %mul3A_237 = arith.mulf %sub3A_234, %mul3A_236 : vector<16xf32>
      %exp3A_238 = math.exp %mul3A_237 : vector<16xf32>
      %mul3A_239 = arith.constant 0.0561769493 : f32
      %mul3A_240 = vector.broadcast %mul3A_239 : f32 to vector<16xf32>
      %mul3A_241 = arith.mulf %exp3A_238, %mul3A_240 : vector<16xf32>
      %add3A_242 = arith.constant -0.184177637 : f32
      %add3A_243 = vector.broadcast %add3A_242 : f32 to vector<16xf32>
      %add3A_244 = arith.addf %add3A_243, %mul3A_241 : vector<16xf32>
      %mul3A_245 = arith.mulf %exp3A_238, %add3A_244 : vector<16xf32>
      %add3A_246 = arith.constant 0.320988953 : f32
      %add3A_247 = vector.broadcast %add3A_246 : f32 to vector<16xf32>
      %add3A_248 = arith.addf %add3A_247, %mul3A_245 : vector<16xf32>
      %mul3A_249 = arith.mulf %exp3A_238, %add3A_248 : vector<16xf32>
      %add3A_250 = arith.constant -0.499440551 : f32
      %add3A_251 = vector.broadcast %add3A_250 : f32 to vector<16xf32>
      %add3A_252 = arith.addf %add3A_251, %mul3A_249 : vector<16xf32>
      %mul3A_253 = arith.mulf %exp3A_238, %add3A_252 : vector<16xf32>
      %add3A_254 = arith.constant 1.000000e+00 : f32
      %add3A_255 = vector.broadcast %add3A_254 : f32 to vector<16xf32>
      %add3A_256 = arith.addf %add3A_255, %mul3A_253 : vector<16xf32>
      %mul3A_257 = arith.mulf %exp3A_238, %add3A_256 : vector<16xf32>
      %mul3A_258 = arith.constant 0.00999999977 : f32
      %mul3A_259 = vector.broadcast %mul3A_258 : f32 to vector<16xf32>
      %mul3A_260 = arith.mulf %mul3A_259, %mul3A_257 : vector<16xf32>
      %add3A_261 = arith.addf %max3A_232, %mul3A_260 : vector<16xf32>
      %max3A_262 = arith.maximumf %get3A_190, %get3A_202 : vector<16xf32>
      %min3A_263 = arith.minimumf %get3A_190, %get3A_202 : vector<16xf32>
      %sub3A_264 = arith.subf %min3A_263, %max3A_262 : vector<16xf32>
      %mul3A_265 = arith.constant 1.000000e+02 : f32
      %mul3A_266 = vector.broadcast %mul3A_265 : f32 to vector<16xf32>
      %mul3A_267 = arith.mulf %sub3A_264, %mul3A_266 : vector<16xf32>
      %exp3A_268 = math.exp %mul3A_267 : vector<16xf32>
      %mul3A_269 = arith.constant 0.0561769493 : f32
      %mul3A_270 = vector.broadcast %mul3A_269 : f32 to vector<16xf32>
      %mul3A_271 = arith.mulf %exp3A_268, %mul3A_270 : vector<16xf32>
      %add3A_272 = arith.constant -0.184177637 : f32
      %add3A_273 = vector.broadcast %add3A_272 : f32 to vector<16xf32>
      %add3A_274 = arith.addf %add3A_273, %mul3A_271 : vector<16xf32>
      %mul3A_275 = arith.mulf %exp3A_268, %add3A_274 : vector<16xf32>
      %add3A_276 = arith.constant 0.320988953 : f32
      %add3A_277 = vector.broadcast %add3A_276 : f32 to vector<16xf32>
      %add3A_278 = arith.addf %add3A_277, %mul3A_275 : vector<16xf32>
      %mul3A_279 = arith.mulf %exp3A_268, %add3A_278 : vector<16xf32>
      %add3A_280 = arith.constant -0.499440551 : f32
      %add3A_281 = vector.broadcast %add3A_280 : f32 to vector<16xf32>
      %add3A_282 = arith.addf %add3A_281, %mul3A_279 : vector<16xf32>
      %mul3A_283 = arith.mulf %exp3A_268, %add3A_282 : vector<16xf32>
      %add3A_284 = arith.constant 1.000000e+00 : f32
      %add3A_285 = vector.broadcast %add3A_284 : f32 to vector<16xf32>
      %add3A_286 = arith.addf %add3A_285, %mul3A_283 : vector<16xf32>
      %mul3A_287 = arith.mulf %exp3A_268, %add3A_286 : vector<16xf32>
      %mul3A_288 = arith.constant 0.00999999977 : f32
      %mul3A_289 = vector.broadcast %mul3A_288 : f32 to vector<16xf32>
      %mul3A_290 = arith.mulf %mul3A_289, %mul3A_287 : vector<16xf32>
      %add3A_291 = arith.addf %max3A_262, %mul3A_290 : vector<16xf32>
      %max3A_292 = arith.maximumf %get3A_193, %get3A_205 : vector<16xf32>
      %min3A_293 = arith.minimumf %get3A_193, %get3A_205 : vector<16xf32>
      %sub3A_294 = arith.subf %min3A_293, %max3A_292 : vector<16xf32>
      %mul3A_295 = arith.constant 1.000000e+02 : f32
      %mul3A_296 = vector.broadcast %mul3A_295 : f32 to vector<16xf32>
      %mul3A_297 = arith.mulf %sub3A_294, %mul3A_296 : vector<16xf32>
      %exp3A_298 = math.exp %mul3A_297 : vector<16xf32>
      %mul3A_299 = arith.constant 0.0561769493 : f32
      %mul3A_300 = vector.broadcast %mul3A_299 : f32 to vector<16xf32>
      %mul3A_301 = arith.mulf %exp3A_298, %mul3A_300 : vector<16xf32>
      %add3A_302 = arith.constant -0.184177637 : f32
      %add3A_303 = vector.broadcast %add3A_302 : f32 to vector<16xf32>
      %add3A_304 = arith.addf %add3A_303, %mul3A_301 : vector<16xf32>
      %mul3A_305 = arith.mulf %exp3A_298, %add3A_304 : vector<16xf32>
      %add3A_306 = arith.constant 0.320988953 : f32
      %add3A_307 = vector.broadcast %add3A_306 : f32 to vector<16xf32>
      %add3A_308 = arith.addf %add3A_307, %mul3A_305 : vector<16xf32>
      %mul3A_309 = arith.mulf %exp3A_298, %add3A_308 : vector<16xf32>
      %add3A_310 = arith.constant -0.499440551 : f32
      %add3A_311 = vector.broadcast %add3A_310 : f32 to vector<16xf32>
      %add3A_312 = arith.addf %add3A_311, %mul3A_309 : vector<16xf32>
      %mul3A_313 = arith.mulf %exp3A_298, %add3A_312 : vector<16xf32>
      %add3A_314 = arith.constant 1.000000e+00 : f32
      %add3A_315 = vector.broadcast %add3A_314 : f32 to vector<16xf32>
      %add3A_316 = arith.addf %add3A_315, %mul3A_313 : vector<16xf32>
      %mul3A_317 = arith.mulf %exp3A_298, %add3A_316 : vector<16xf32>
      %mul3A_318 = arith.constant 0.00999999977 : f32
      %mul3A_319 = vector.broadcast %mul3A_318 : f32 to vector<16xf32>
      %mul3A_320 = arith.mulf %mul3A_319, %mul3A_317 : vector<16xf32>
      %add3A_321 = arith.addf %max3A_292, %mul3A_320 : vector<16xf32>
      %add3A_322 = arith.addf %add3A_231, %add3A_291 : vector<16xf32>
      %neg3A = arith.constant 0.000000e+00 : f32
      %neg3A_323 = vector.broadcast %neg3A : f32 to vector<16xf32>
      %neg3A_324 = arith.subf %neg3A_323, %add3A_322 : vector<16xf32>
      %add3A_325 = arith.addf %add3A_261, %add3A_321 : vector<16xf32>
      %neg3A_326 = arith.constant 0.000000e+00 : f32
      %neg3A_327 = vector.broadcast %neg3A_326 : f32 to vector<16xf32>
      %neg3A_328 = arith.subf %neg3A_327, %add3A_325 : vector<16xf32>
      %add3A_329 = arith.addf %get3A_196, %get3A_202 : vector<16xf32>
      %neg3A_330 = arith.constant 0.000000e+00 : f32
      %neg3A_331 = vector.broadcast %neg3A_330 : f32 to vector<16xf32>
      %neg3A_332 = arith.subf %neg3A_331, %add3A_329 : vector<16xf32>
      %add3A_333 = arith.addf %get3A_199, %get3A_205 : vector<16xf32>
      %neg3A_334 = arith.constant 0.000000e+00 : f32
      %neg3A_335 = vector.broadcast %neg3A_334 : f32 to vector<16xf32>
      %neg3A_336 = arith.subf %neg3A_335, %add3A_333 : vector<16xf32>
      %neg3A_337 = arith.constant 0.000000e+00 : f32
      %neg3A_338 = vector.broadcast %neg3A_337 : f32 to vector<16xf32>
      %neg3A_339 = arith.subf %neg3A_338, %neg3A_324 : vector<16xf32>
      %min3A_340 = arith.minimumf %neg3A_324, %neg3A_339 : vector<16xf32>
      %exp3A_341 = math.exp %min3A_340 : vector<16xf32>
      %max3A_342 = arith.constant 0.000000e+00 : f32
      %max3A_343 = vector.broadcast %max3A_342 : f32 to vector<16xf32>
      %max3A_344 = arith.maximumf %neg3A_324, %max3A_343 : vector<16xf32>
      %mul3A_345 = arith.constant 0.0561769493 : f32
      %mul3A_346 = vector.broadcast %mul3A_345 : f32 to vector<16xf32>
      %mul3A_347 = arith.mulf %exp3A_341, %mul3A_346 : vector<16xf32>
      %add3A_348 = arith.constant -0.184177637 : f32
      %add3A_349 = vector.broadcast %add3A_348 : f32 to vector<16xf32>
      %add3A_350 = arith.addf %add3A_349, %mul3A_347 : vector<16xf32>
      %mul3A_351 = arith.mulf %exp3A_341, %add3A_350 : vector<16xf32>
      %add3A_352 = arith.constant 0.320988953 : f32
      %add3A_353 = vector.broadcast %add3A_352 : f32 to vector<16xf32>
      %add3A_354 = arith.addf %add3A_353, %mul3A_351 : vector<16xf32>
      %mul3A_355 = arith.mulf %exp3A_341, %add3A_354 : vector<16xf32>
      %add3A_356 = arith.constant -0.499440551 : f32
      %add3A_357 = vector.broadcast %add3A_356 : f32 to vector<16xf32>
      %add3A_358 = arith.addf %add3A_357, %mul3A_355 : vector<16xf32>
      %mul3A_359 = arith.mulf %exp3A_341, %add3A_358 : vector<16xf32>
      %add3A_360 = arith.constant 1.000000e+00 : f32
      %add3A_361 = vector.broadcast %add3A_360 : f32 to vector<16xf32>
      %add3A_362 = arith.addf %add3A_361, %mul3A_359 : vector<16xf32>
      %mul3A_363 = arith.mulf %exp3A_341, %add3A_362 : vector<16xf32>
      %add3A_364 = arith.addf %max3A_344, %mul3A_363 : vector<16xf32>
      %add3A_365 = arith.constant 9.99999999E-24 : f32
      %add3A_366 = vector.broadcast %add3A_365 : f32 to vector<16xf32>
      %add3A_367 = arith.addf %add3A_364, %add3A_366 : vector<16xf32>
      %bitcast3A = vector.bitcast %add3A_367 : vector<16xf32> to vector<16xi32>
      %shift_right_arithmetic3A = arith.constant 23 : i32
      %shift_right_arithmetic3A_368 = vector.broadcast %shift_right_arithmetic3A : i32 to vector<16xi32>
      %shift_right_arithmetic3A_369 = arith.shrsi %bitcast3A, %shift_right_arithmetic3A_368 : vector<16xi32>
      %sub3A_370 = arith.constant 127 : i32
      %sub3A_371 = vector.broadcast %sub3A_370 : i32 to vector<16xi32>
      %sub3A_372 = arith.subi %shift_right_arithmetic3A_369, %sub3A_371 : vector<16xi32>
      %and3A = arith.constant 8388607 : i32
      %and3A_373 = vector.broadcast %and3A : i32 to vector<16xi32>
      %and3A_374 = arith.andi %bitcast3A, %and3A_373 : vector<16xi32>
      %or3A = arith.constant 1065353216 : i32
      %or3A_375 = vector.broadcast %or3A : i32 to vector<16xi32>
      %or3A_376 = arith.ori %and3A_374, %or3A_375 : vector<16xi32>
      %bitcast3A_377 = vector.bitcast %or3A_376 : vector<16xi32> to vector<16xf32>
      %sub3A_378 = arith.constant 1.000000e+00 : f32
      %sub3A_379 = vector.broadcast %sub3A_378 : f32 to vector<16xf32>
      %sub3A_380 = arith.subf %bitcast3A_377, %sub3A_379 : vector<16xf32>
      %add3A_381 = arith.constant 1.000000e+00 : f32
      %add3A_382 = vector.broadcast %add3A_381 : f32 to vector<16xf32>
      %add3A_383 = arith.addf %bitcast3A_377, %add3A_382 : vector<16xf32>
      %div3A = arith.divf %sub3A_380, %add3A_383 : vector<16xf32>
      %mul3A_384 = arith.mulf %div3A, %div3A : vector<16xf32>
      %convert_element_type3A = arith.sitofp %sub3A_372 : vector<16xi32> to vector<16xf32>
      %mul3A_385 = arith.constant 0.693147182 : f32
      %mul3A_386 = vector.broadcast %mul3A_385 : f32 to vector<16xf32>
      %mul3A_387 = arith.mulf %mul3A_386, %convert_element_type3A : vector<16xf32>
      %mul3A_388 = arith.constant 0.285714298 : f32
      %mul3A_389 = vector.broadcast %mul3A_388 : f32 to vector<16xf32>
      %mul3A_390 = arith.mulf %mul3A_384, %mul3A_389 : vector<16xf32>
      %add3A_391 = arith.constant 4.000000e-01 : f32
      %add3A_392 = vector.broadcast %add3A_391 : f32 to vector<16xf32>
      %add3A_393 = arith.addf %add3A_392, %mul3A_390 : vector<16xf32>
      %mul3A_394 = arith.mulf %mul3A_384, %add3A_393 : vector<16xf32>
      %add3A_395 = arith.constant 0.666666686 : f32
      %add3A_396 = vector.broadcast %add3A_395 : f32 to vector<16xf32>
      %add3A_397 = arith.addf %add3A_396, %mul3A_394 : vector<16xf32>
      %mul3A_398 = arith.mulf %mul3A_384, %add3A_397 : vector<16xf32>
      %add3A_399 = arith.constant 2.000000e+00 : f32
      %add3A_400 = vector.broadcast %add3A_399 : f32 to vector<16xf32>
      %add3A_401 = arith.addf %add3A_400, %mul3A_398 : vector<16xf32>
      %mul3A_402 = arith.mulf %div3A, %add3A_401 : vector<16xf32>
      %add3A_403 = arith.addf %mul3A_387, %mul3A_402 : vector<16xf32>
      %neg3A_404 = arith.constant 0.000000e+00 : f32
      %neg3A_405 = vector.broadcast %neg3A_404 : f32 to vector<16xf32>
      %neg3A_406 = arith.subf %neg3A_405, %neg3A_328 : vector<16xf32>
      %min3A_407 = arith.minimumf %neg3A_328, %neg3A_406 : vector<16xf32>
      %exp3A_408 = math.exp %min3A_407 : vector<16xf32>
      %max3A_409 = arith.constant 0.000000e+00 : f32
      %max3A_410 = vector.broadcast %max3A_409 : f32 to vector<16xf32>
      %max3A_411 = arith.maximumf %neg3A_328, %max3A_410 : vector<16xf32>
      %mul3A_412 = arith.constant 0.0561769493 : f32
      %mul3A_413 = vector.broadcast %mul3A_412 : f32 to vector<16xf32>
      %mul3A_414 = arith.mulf %exp3A_408, %mul3A_413 : vector<16xf32>
      %add3A_415 = arith.constant -0.184177637 : f32
      %add3A_416 = vector.broadcast %add3A_415 : f32 to vector<16xf32>
      %add3A_417 = arith.addf %add3A_416, %mul3A_414 : vector<16xf32>
      %mul3A_418 = arith.mulf %exp3A_408, %add3A_417 : vector<16xf32>
      %add3A_419 = arith.constant 0.320988953 : f32
      %add3A_420 = vector.broadcast %add3A_419 : f32 to vector<16xf32>
      %add3A_421 = arith.addf %add3A_420, %mul3A_418 : vector<16xf32>
      %mul3A_422 = arith.mulf %exp3A_408, %add3A_421 : vector<16xf32>
      %add3A_423 = arith.constant -0.499440551 : f32
      %add3A_424 = vector.broadcast %add3A_423 : f32 to vector<16xf32>
      %add3A_425 = arith.addf %add3A_424, %mul3A_422 : vector<16xf32>
      %mul3A_426 = arith.mulf %exp3A_408, %add3A_425 : vector<16xf32>
      %add3A_427 = arith.constant 1.000000e+00 : f32
      %add3A_428 = vector.broadcast %add3A_427 : f32 to vector<16xf32>
      %add3A_429 = arith.addf %add3A_428, %mul3A_426 : vector<16xf32>
      %mul3A_430 = arith.mulf %exp3A_408, %add3A_429 : vector<16xf32>
      %add3A_431 = arith.addf %max3A_411, %mul3A_430 : vector<16xf32>
      %add3A_432 = arith.constant 9.99999999E-24 : f32
      %add3A_433 = vector.broadcast %add3A_432 : f32 to vector<16xf32>
      %add3A_434 = arith.addf %add3A_431, %add3A_433 : vector<16xf32>
      %bitcast3A_435 = vector.bitcast %add3A_434 : vector<16xf32> to vector<16xi32>
      %shift_right_arithmetic3A_436 = arith.constant 23 : i32
      %shift_right_arithmetic3A_437 = vector.broadcast %shift_right_arithmetic3A_436 : i32 to vector<16xi32>
      %shift_right_arithmetic3A_438 = arith.shrsi %bitcast3A_435, %shift_right_arithmetic3A_437 : vector<16xi32>
      %sub3A_439 = arith.constant 127 : i32
      %sub3A_440 = vector.broadcast %sub3A_439 : i32 to vector<16xi32>
      %sub3A_441 = arith.subi %shift_right_arithmetic3A_438, %sub3A_440 : vector<16xi32>
      %and3A_442 = arith.constant 8388607 : i32
      %and3A_443 = vector.broadcast %and3A_442 : i32 to vector<16xi32>
      %and3A_444 = arith.andi %bitcast3A_435, %and3A_443 : vector<16xi32>
      %or3A_445 = arith.constant 1065353216 : i32
      %or3A_446 = vector.broadcast %or3A_445 : i32 to vector<16xi32>
      %or3A_447 = arith.ori %and3A_444, %or3A_446 : vector<16xi32>
      %bitcast3A_448 = vector.bitcast %or3A_447 : vector<16xi32> to vector<16xf32>
      %sub3A_449 = arith.constant 1.000000e+00 : f32
      %sub3A_450 = vector.broadcast %sub3A_449 : f32 to vector<16xf32>
      %sub3A_451 = arith.subf %bitcast3A_448, %sub3A_450 : vector<16xf32>
      %add3A_452 = arith.constant 1.000000e+00 : f32
      %add3A_453 = vector.broadcast %add3A_452 : f32 to vector<16xf32>
      %add3A_454 = arith.addf %bitcast3A_448, %add3A_453 : vector<16xf32>
      %div3A_455 = arith.divf %sub3A_451, %add3A_454 : vector<16xf32>
      %mul3A_456 = arith.mulf %div3A_455, %div3A_455 : vector<16xf32>
      %convert_element_type3A_457 = arith.sitofp %sub3A_441 : vector<16xi32> to vector<16xf32>
      %mul3A_458 = arith.constant 0.693147182 : f32
      %mul3A_459 = vector.broadcast %mul3A_458 : f32 to vector<16xf32>
      %mul3A_460 = arith.mulf %mul3A_459, %convert_element_type3A_457 : vector<16xf32>
      %mul3A_461 = arith.constant 0.285714298 : f32
      %mul3A_462 = vector.broadcast %mul3A_461 : f32 to vector<16xf32>
      %mul3A_463 = arith.mulf %mul3A_456, %mul3A_462 : vector<16xf32>
      %add3A_464 = arith.constant 4.000000e-01 : f32
      %add3A_465 = vector.broadcast %add3A_464 : f32 to vector<16xf32>
      %add3A_466 = arith.addf %add3A_465, %mul3A_463 : vector<16xf32>
      %mul3A_467 = arith.mulf %mul3A_456, %add3A_466 : vector<16xf32>
      %add3A_468 = arith.constant 0.666666686 : f32
      %add3A_469 = vector.broadcast %add3A_468 : f32 to vector<16xf32>
      %add3A_470 = arith.addf %add3A_469, %mul3A_467 : vector<16xf32>
      %mul3A_471 = arith.mulf %mul3A_456, %add3A_470 : vector<16xf32>
      %add3A_472 = arith.constant 2.000000e+00 : f32
      %add3A_473 = vector.broadcast %add3A_472 : f32 to vector<16xf32>
      %add3A_474 = arith.addf %add3A_473, %mul3A_471 : vector<16xf32>
      %mul3A_475 = arith.mulf %div3A_455, %add3A_474 : vector<16xf32>
      %add3A_476 = arith.addf %mul3A_460, %mul3A_475 : vector<16xf32>
      %add3A_477 = arith.addf %add3A_403, %add3A_476 : vector<16xf32>
      %neg3A_478 = arith.constant 0.000000e+00 : f32
      %neg3A_479 = vector.broadcast %neg3A_478 : f32 to vector<16xf32>
      %neg3A_480 = arith.subf %neg3A_479, %neg3A_332 : vector<16xf32>
      %min3A_481 = arith.minimumf %neg3A_332, %neg3A_480 : vector<16xf32>
      %exp3A_482 = math.exp %min3A_481 : vector<16xf32>
      %max3A_483 = arith.constant 0.000000e+00 : f32
      %max3A_484 = vector.broadcast %max3A_483 : f32 to vector<16xf32>
      %max3A_485 = arith.maximumf %neg3A_332, %max3A_484 : vector<16xf32>
      %mul3A_486 = arith.constant 0.0561769493 : f32
      %mul3A_487 = vector.broadcast %mul3A_486 : f32 to vector<16xf32>
      %mul3A_488 = arith.mulf %exp3A_482, %mul3A_487 : vector<16xf32>
      %add3A_489 = arith.constant -0.184177637 : f32
      %add3A_490 = vector.broadcast %add3A_489 : f32 to vector<16xf32>
      %add3A_491 = arith.addf %add3A_490, %mul3A_488 : vector<16xf32>
      %mul3A_492 = arith.mulf %exp3A_482, %add3A_491 : vector<16xf32>
      %add3A_493 = arith.constant 0.320988953 : f32
      %add3A_494 = vector.broadcast %add3A_493 : f32 to vector<16xf32>
      %add3A_495 = arith.addf %add3A_494, %mul3A_492 : vector<16xf32>
      %mul3A_496 = arith.mulf %exp3A_482, %add3A_495 : vector<16xf32>
      %add3A_497 = arith.constant -0.499440551 : f32
      %add3A_498 = vector.broadcast %add3A_497 : f32 to vector<16xf32>
      %add3A_499 = arith.addf %add3A_498, %mul3A_496 : vector<16xf32>
      %mul3A_500 = arith.mulf %exp3A_482, %add3A_499 : vector<16xf32>
      %add3A_501 = arith.constant 1.000000e+00 : f32
      %add3A_502 = vector.broadcast %add3A_501 : f32 to vector<16xf32>
      %add3A_503 = arith.addf %add3A_502, %mul3A_500 : vector<16xf32>
      %mul3A_504 = arith.mulf %exp3A_482, %add3A_503 : vector<16xf32>
      %add3A_505 = arith.addf %max3A_485, %mul3A_504 : vector<16xf32>
      %add3A_506 = arith.constant 9.99999999E-24 : f32
      %add3A_507 = vector.broadcast %add3A_506 : f32 to vector<16xf32>
      %add3A_508 = arith.addf %add3A_505, %add3A_507 : vector<16xf32>
      %bitcast3A_509 = vector.bitcast %add3A_508 : vector<16xf32> to vector<16xi32>
      %shift_right_arithmetic3A_510 = arith.constant 23 : i32
      %shift_right_arithmetic3A_511 = vector.broadcast %shift_right_arithmetic3A_510 : i32 to vector<16xi32>
      %shift_right_arithmetic3A_512 = arith.shrsi %bitcast3A_509, %shift_right_arithmetic3A_511 : vector<16xi32>
      %sub3A_513 = arith.constant 127 : i32
      %sub3A_514 = vector.broadcast %sub3A_513 : i32 to vector<16xi32>
      %sub3A_515 = arith.subi %shift_right_arithmetic3A_512, %sub3A_514 : vector<16xi32>
      %and3A_516 = arith.constant 8388607 : i32
      %and3A_517 = vector.broadcast %and3A_516 : i32 to vector<16xi32>
      %and3A_518 = arith.andi %bitcast3A_509, %and3A_517 : vector<16xi32>
      %or3A_519 = arith.constant 1065353216 : i32
      %or3A_520 = vector.broadcast %or3A_519 : i32 to vector<16xi32>
      %or3A_521 = arith.ori %and3A_518, %or3A_520 : vector<16xi32>
      %bitcast3A_522 = vector.bitcast %or3A_521 : vector<16xi32> to vector<16xf32>
      %sub3A_523 = arith.constant 1.000000e+00 : f32
      %sub3A_524 = vector.broadcast %sub3A_523 : f32 to vector<16xf32>
      %sub3A_525 = arith.subf %bitcast3A_522, %sub3A_524 : vector<16xf32>
      %add3A_526 = arith.constant 1.000000e+00 : f32
      %add3A_527 = vector.broadcast %add3A_526 : f32 to vector<16xf32>
      %add3A_528 = arith.addf %bitcast3A_522, %add3A_527 : vector<16xf32>
      %div3A_529 = arith.divf %sub3A_525, %add3A_528 : vector<16xf32>
      %mul3A_530 = arith.mulf %div3A_529, %div3A_529 : vector<16xf32>
      %convert_element_type3A_531 = arith.sitofp %sub3A_515 : vector<16xi32> to vector<16xf32>
      %mul3A_532 = arith.constant 0.693147182 : f32
      %mul3A_533 = vector.broadcast %mul3A_532 : f32 to vector<16xf32>
      %mul3A_534 = arith.mulf %mul3A_533, %convert_element_type3A_531 : vector<16xf32>
      %mul3A_535 = arith.constant 0.285714298 : f32
      %mul3A_536 = vector.broadcast %mul3A_535 : f32 to vector<16xf32>
      %mul3A_537 = arith.mulf %mul3A_530, %mul3A_536 : vector<16xf32>
      %add3A_538 = arith.constant 4.000000e-01 : f32
      %add3A_539 = vector.broadcast %add3A_538 : f32 to vector<16xf32>
      %add3A_540 = arith.addf %add3A_539, %mul3A_537 : vector<16xf32>
      %mul3A_541 = arith.mulf %mul3A_530, %add3A_540 : vector<16xf32>
      %add3A_542 = arith.constant 0.666666686 : f32
      %add3A_543 = vector.broadcast %add3A_542 : f32 to vector<16xf32>
      %add3A_544 = arith.addf %add3A_543, %mul3A_541 : vector<16xf32>
      %mul3A_545 = arith.mulf %mul3A_530, %add3A_544 : vector<16xf32>
      %add3A_546 = arith.constant 2.000000e+00 : f32
      %add3A_547 = vector.broadcast %add3A_546 : f32 to vector<16xf32>
      %add3A_548 = arith.addf %add3A_547, %mul3A_545 : vector<16xf32>
      %mul3A_549 = arith.mulf %div3A_529, %add3A_548 : vector<16xf32>
      %add3A_550 = arith.addf %mul3A_534, %mul3A_549 : vector<16xf32>
      %sub3A_551 = arith.subf %add3A_477, %add3A_550 : vector<16xf32>
      %neg3A_552 = arith.constant 0.000000e+00 : f32
      %neg3A_553 = vector.broadcast %neg3A_552 : f32 to vector<16xf32>
      %neg3A_554 = arith.subf %neg3A_553, %neg3A_336 : vector<16xf32>
      %min3A_555 = arith.minimumf %neg3A_336, %neg3A_554 : vector<16xf32>
      %exp3A_556 = math.exp %min3A_555 : vector<16xf32>
      %max3A_557 = arith.constant 0.000000e+00 : f32
      %max3A_558 = vector.broadcast %max3A_557 : f32 to vector<16xf32>
      %max3A_559 = arith.maximumf %neg3A_336, %max3A_558 : vector<16xf32>
      %mul3A_560 = arith.constant 0.0561769493 : f32
      %mul3A_561 = vector.broadcast %mul3A_560 : f32 to vector<16xf32>
      %mul3A_562 = arith.mulf %exp3A_556, %mul3A_561 : vector<16xf32>
      %add3A_563 = arith.constant -0.184177637 : f32
      %add3A_564 = vector.broadcast %add3A_563 : f32 to vector<16xf32>
      %add3A_565 = arith.addf %add3A_564, %mul3A_562 : vector<16xf32>
      %mul3A_566 = arith.mulf %exp3A_556, %add3A_565 : vector<16xf32>
      %add3A_567 = arith.constant 0.320988953 : f32
      %add3A_568 = vector.broadcast %add3A_567 : f32 to vector<16xf32>
      %add3A_569 = arith.addf %add3A_568, %mul3A_566 : vector<16xf32>
      %mul3A_570 = arith.mulf %exp3A_556, %add3A_569 : vector<16xf32>
      %add3A_571 = arith.constant -0.499440551 : f32
      %add3A_572 = vector.broadcast %add3A_571 : f32 to vector<16xf32>
      %add3A_573 = arith.addf %add3A_572, %mul3A_570 : vector<16xf32>
      %mul3A_574 = arith.mulf %exp3A_556, %add3A_573 : vector<16xf32>
      %add3A_575 = arith.constant 1.000000e+00 : f32
      %add3A_576 = vector.broadcast %add3A_575 : f32 to vector<16xf32>
      %add3A_577 = arith.addf %add3A_576, %mul3A_574 : vector<16xf32>
      %mul3A_578 = arith.mulf %exp3A_556, %add3A_577 : vector<16xf32>
      %add3A_579 = arith.addf %max3A_559, %mul3A_578 : vector<16xf32>
      %add3A_580 = arith.constant 9.99999999E-24 : f32
      %add3A_581 = vector.broadcast %add3A_580 : f32 to vector<16xf32>
      %add3A_582 = arith.addf %add3A_579, %add3A_581 : vector<16xf32>
      %bitcast3A_583 = vector.bitcast %add3A_582 : vector<16xf32> to vector<16xi32>
      %shift_right_arithmetic3A_584 = arith.constant 23 : i32
      %shift_right_arithmetic3A_585 = vector.broadcast %shift_right_arithmetic3A_584 : i32 to vector<16xi32>
      %shift_right_arithmetic3A_586 = arith.shrsi %bitcast3A_583, %shift_right_arithmetic3A_585 : vector<16xi32>
      %sub3A_587 = arith.constant 127 : i32
      %sub3A_588 = vector.broadcast %sub3A_587 : i32 to vector<16xi32>
      %sub3A_589 = arith.subi %shift_right_arithmetic3A_586, %sub3A_588 : vector<16xi32>
      %and3A_590 = arith.constant 8388607 : i32
      %and3A_591 = vector.broadcast %and3A_590 : i32 to vector<16xi32>
      %and3A_592 = arith.andi %bitcast3A_583, %and3A_591 : vector<16xi32>
      %or3A_593 = arith.constant 1065353216 : i32
      %or3A_594 = vector.broadcast %or3A_593 : i32 to vector<16xi32>
      %or3A_595 = arith.ori %and3A_592, %or3A_594 : vector<16xi32>
      %bitcast3A_596 = vector.bitcast %or3A_595 : vector<16xi32> to vector<16xf32>
      %sub3A_597 = arith.constant 1.000000e+00 : f32
      %sub3A_598 = vector.broadcast %sub3A_597 : f32 to vector<16xf32>
      %sub3A_599 = arith.subf %bitcast3A_596, %sub3A_598 : vector<16xf32>
      %add3A_600 = arith.constant 1.000000e+00 : f32
      %add3A_601 = vector.broadcast %add3A_600 : f32 to vector<16xf32>
      %add3A_602 = arith.addf %bitcast3A_596, %add3A_601 : vector<16xf32>
      %div3A_603 = arith.divf %sub3A_599, %add3A_602 : vector<16xf32>
      %mul3A_604 = arith.mulf %div3A_603, %div3A_603 : vector<16xf32>
      %convert_element_type3A_605 = arith.sitofp %sub3A_589 : vector<16xi32> to vector<16xf32>
      %mul3A_606 = arith.constant 0.693147182 : f32
      %mul3A_607 = vector.broadcast %mul3A_606 : f32 to vector<16xf32>
      %mul3A_608 = arith.mulf %mul3A_607, %convert_element_type3A_605 : vector<16xf32>
      %mul3A_609 = arith.constant 0.285714298 : f32
      %mul3A_610 = vector.broadcast %mul3A_609 : f32 to vector<16xf32>
      %mul3A_611 = arith.mulf %mul3A_604, %mul3A_610 : vector<16xf32>
      %add3A_612 = arith.constant 4.000000e-01 : f32
      %add3A_613 = vector.broadcast %add3A_612 : f32 to vector<16xf32>
      %add3A_614 = arith.addf %add3A_613, %mul3A_611 : vector<16xf32>
      %mul3A_615 = arith.mulf %mul3A_604, %add3A_614 : vector<16xf32>
      %add3A_616 = arith.constant 0.666666686 : f32
      %add3A_617 = vector.broadcast %add3A_616 : f32 to vector<16xf32>
      %add3A_618 = arith.addf %add3A_617, %mul3A_615 : vector<16xf32>
      %mul3A_619 = arith.mulf %mul3A_604, %add3A_618 : vector<16xf32>
      %add3A_620 = arith.constant 2.000000e+00 : f32
      %add3A_621 = vector.broadcast %add3A_620 : f32 to vector<16xf32>
      %add3A_622 = arith.addf %add3A_621, %mul3A_619 : vector<16xf32>
      %mul3A_623 = arith.mulf %div3A_603, %add3A_622 : vector<16xf32>
      %add3A_624 = arith.addf %mul3A_608, %mul3A_623 : vector<16xf32>
      %sub3A_625 = arith.subf %sub3A_551, %add3A_624 : vector<16xf32>
      %and3A_626 = arith.constant 15 : i32
      %and3A_627 = arith.andi %scan3A_175, %and3A_626 : i32
      %eq3A = vector.broadcast %and3A_627 : i32 to vector<16xi32>
      %eq3A_628 = arith.cmpi eq, %iota3A, %eq3A : vector<16xi32>
      %reduce_sum3A = arith.constant true
      %reduce_sum3A_629 = vector.broadcast %reduce_sum3A : i1 to vector<16xi1>
      %reduce_sum3A_630 = tpu.scan <sum>, %sub3A_625 masked %reduce_sum3A_629 : vector<16xf32>, vector<16xi1> -> vector<16xf32>
      %reduce_sum3A_631 = vector.extract %reduce_sum3A_630[15] : f32 from vector<16xf32>
      %broadcast_in_dim3A_632 = vector.broadcast %reduce_sum3A_631 : f32 to vector<16xf32>
      %select_n3A = arith.select %eq3A_628, %broadcast_in_dim3A_632, %scan3A_176 : vector<16xi1>, vector<16xf32>
      %and3A_633 = arith.constant 15 : i32
      %and3A_634 = arith.andi %scan3A_175, %and3A_633 : i32
      %eq3A_635 = arith.constant 15 : i32
      %eq3A_636 = arith.cmpi eq, %and3A_634, %eq3A_635 : i32
      %convert_element_type3A_637 = arith.extui %eq3A_636 : i1 to i32
      %cond3A = arith.constant 0 : i32
      %cond3A_638 = arith.cmpi ne, %convert_element_type3A_637, %cond3A : i32
      scf.if %cond3A_638 {
        %add3A_639 = arith.constant 256 : i32
        %add3A_640 = arith.addi %add3A_639, %scan3A_175 : i32
        %sub3A_641 = arith.constant 15 : i32
        %sub3A_642 = arith.subi %add3A_640, %sub3A_641 : i32
        %swap3A = arith.index_cast %sub3A_642 : i32 to index
        %swap3A_643 = tpu.vector_load %arg7[%swap3A] {strides = array<i32>} : memref<512xf32, #tpu.memory_space<vmem>>, vector<16xf32>,
        tpu.vector_store %arg7[%swap3A], %select_n3A {strides = array<i32>} : memref<512xf32, #tpu.memory_space<vmem>>, vector<16xf32>,
      } else {
      }
      scf.yield %select_n3A : vector<16xf32>
    }
    %scan3A_172 = arith.constant 256 : i32
    %mul3A_173 = arith.constant 512 : i32
    %mul3A_174 = arith.muli %mul3A_173, %add3A : i32
    "tpu.region"() ({
      %run_scoped3A = tpu.sem_alloc : memref<!tpu.dma_semaphore, #tpu.memory_space<semaphore_mem>>
      %dma_start3A_175 = tpu.memref_slice %arg4[%mul3A_174] : memref<16384xf32, #tpu.memory_space<hbm>> -> memref<512xf32, #tpu.memory_space<hbm>>
      %dma_start3A_176 = tpu.memref_slice %arg4[%mul3A_174] : memref<16384xf32, #tpu.memory_space<hbm>> -> memref<512xf32, #tpu.memory_space<hbm>>
      tpu.enqueue_dma source(%arg7 : memref<512xf32, #tpu.memory_space<vmem>>) target(%dma_start3A_176 : memref<512xf32, #tpu.memory_space<hbm>>) target_semaphore(%run_scoped3A : memref<!tpu.dma_semaphore, #tpu.memory_space<semaphore_mem>>)
      %dma_wait3A_177 = tpu.memref_slice %arg4[%mul3A_174] : memref<16384xf32, #tpu.memory_space<hbm>> -> memref<512xf32, #tpu.memory_space<hbm>>
      %dma_wait3A_178 = tpu.memref_slice %arg4[%mul3A_174] : memref<16384xf32, #tpu.memory_space<hbm>> -> memref<512xf32, #tpu.memory_space<hbm>>
      tpu.wait_dma2 semaphore(%run_scoped3A : memref<!tpu.dma_semaphore, #tpu.memory_space<semaphore_mem>>) src(%arg7 : memref<512xf32, #tpu.memory_space<vmem>>) dst(%dma_wait3A_178 : memref<512xf32, #tpu.memory_space<hbm>>)
      tpu.yield
    }) : () -> ()
    return
  }
}

module attributes {stable_mosaic.version = 14 : i64} {
  func.func @_relayout_body(%arg0: i32, %arg1: memref<64x10752xf32, #tpu.memory_space<vmem>>, %arg2: memref<10752x128xf32, #tpu.memory_space<vmem>>) attributes {dimension_semantics = [#tpu.dimension_semantics<arbitrary>], iteration_bounds = array<i64: 94>, scalar_prefetch = 0 : i64, scratch_operands = 0 : i64, tpu.core_type = #tpu.core_type<tc>, window_params = [{transform_indices = @transform_0, window_bounds = array<i64: 64, 10752>}, {transform_indices = @transform_1, window_bounds = array<i64: 10752, 128>}]} {
    %get3A = arith.constant 0 : index
    %get3A_0 = arith.constant 0 : index
    %get3A_1 = vector.load %arg1[%get3A, %get3A_0] : memref<64x10752xf32, #tpu.memory_space<vmem>>, vector<64x512xf32>
    %transpose3A = tpu.transpose %get3A_1, [1, 0] : vector<64x512xf32> -> vector<512x64xf32>
    %swap3A = arith.constant 0 : index
    %swap3A_2 = arith.constant 0 : index
    %swap3A_3 = vector.load %arg2[%swap3A, %swap3A_2] : memref<10752x128xf32, #tpu.memory_space<vmem>>, vector<512x64xf32>
    tpu.vector_store %arg2[%swap3A, %swap3A_2], %transpose3A {strides = array<i32>} : memref<10752x128xf32, #tpu.memory_space<vmem>>, vector<512x64xf32>,
    %get3A_4 = arith.constant 0 : index
    %get3A_5 = arith.constant 512 : index
    %get3A_6 = vector.load %arg1[%get3A_4, %get3A_5] : memref<64x10752xf32, #tpu.memory_space<vmem>>, vector<64x512xf32>
    %transpose3A_7 = tpu.transpose %get3A_6, [1, 0] : vector<64x512xf32> -> vector<512x64xf32>
    %swap3A_8 = arith.constant 512 : index
    %swap3A_9 = arith.constant 0 : index
    %swap3A_10 = vector.load %arg2[%swap3A_8, %swap3A_9] : memref<10752x128xf32, #tpu.memory_space<vmem>>, vector<512x64xf32>
    tpu.vector_store %arg2[%swap3A_8, %swap3A_9], %transpose3A_7 {strides = array<i32>} : memref<10752x128xf32, #tpu.memory_space<vmem>>, vector<512x64xf32>,
    %get3A_11 = arith.constant 0 : index
    %get3A_12 = arith.constant 1024 : index
    %get3A_13 = vector.load %arg1[%get3A_11, %get3A_12] : memref<64x10752xf32, #tpu.memory_space<vmem>>, vector<64x512xf32>
    %transpose3A_14 = tpu.transpose %get3A_13, [1, 0] : vector<64x512xf32> -> vector<512x64xf32>
    %swap3A_15 = arith.constant 1024 : index
    %swap3A_16 = arith.constant 0 : index
    %swap3A_17 = vector.load %arg2[%swap3A_15, %swap3A_16] : memref<10752x128xf32, #tpu.memory_space<vmem>>, vector<512x64xf32>
    tpu.vector_store %arg2[%swap3A_15, %swap3A_16], %transpose3A_14 {strides = array<i32>} : memref<10752x128xf32, #tpu.memory_space<vmem>>, vector<512x64xf32>,
    %get3A_18 = arith.constant 0 : index
    %get3A_19 = arith.constant 1536 : index
    %get3A_20 = vector.load %arg1[%get3A_18, %get3A_19] : memref<64x10752xf32, #tpu.memory_space<vmem>>, vector<64x512xf32>
    %transpose3A_21 = tpu.transpose %get3A_20, [1, 0] : vector<64x512xf32> -> vector<512x64xf32>
    %swap3A_22 = arith.constant 1536 : index
    %swap3A_23 = arith.constant 0 : index
    %swap3A_24 = vector.load %arg2[%swap3A_22, %swap3A_23] : memref<10752x128xf32, #tpu.memory_space<vmem>>, vector<512x64xf32>
    tpu.vector_store %arg2[%swap3A_22, %swap3A_23], %transpose3A_21 {strides = array<i32>} : memref<10752x128xf32, #tpu.memory_space<vmem>>, vector<512x64xf32>,
    %get3A_25 = arith.constant 0 : index
    %get3A_26 = arith.constant 2048 : index
    %get3A_27 = vector.load %arg1[%get3A_25, %get3A_26] : memref<64x10752xf32, #tpu.memory_space<vmem>>, vector<64x512xf32>
    %transpose3A_28 = tpu.transpose %get3A_27, [1, 0] : vector<64x512xf32> -> vector<512x64xf32>
    %swap3A_29 = arith.constant 2048 : index
    %swap3A_30 = arith.constant 0 : index
    %swap3A_31 = vector.load %arg2[%swap3A_29, %swap3A_30] : memref<10752x128xf32, #tpu.memory_space<vmem>>, vector<512x64xf32>
    tpu.vector_store %arg2[%swap3A_29, %swap3A_30], %transpose3A_28 {strides = array<i32>} : memref<10752x128xf32, #tpu.memory_space<vmem>>, vector<512x64xf32>,
    %get3A_32 = arith.constant 0 : index
    %get3A_33 = arith.constant 2560 : index
    %get3A_34 = vector.load %arg1[%get3A_32, %get3A_33] : memref<64x10752xf32, #tpu.memory_space<vmem>>, vector<64x512xf32>
    %transpose3A_35 = tpu.transpose %get3A_34, [1, 0] : vector<64x512xf32> -> vector<512x64xf32>
    %swap3A_36 = arith.constant 2560 : index
    %swap3A_37 = arith.constant 0 : index
    %swap3A_38 = vector.load %arg2[%swap3A_36, %swap3A_37] : memref<10752x128xf32, #tpu.memory_space<vmem>>, vector<512x64xf32>
    tpu.vector_store %arg2[%swap3A_36, %swap3A_37], %transpose3A_35 {strides = array<i32>} : memref<10752x128xf32, #tpu.memory_space<vmem>>, vector<512x64xf32>,
    %get3A_39 = arith.constant 0 : index
    %get3A_40 = arith.constant 3072 : index
    %get3A_41 = vector.load %arg1[%get3A_39, %get3A_40] : memref<64x10752xf32, #tpu.memory_space<vmem>>, vector<64x512xf32>
    %transpose3A_42 = tpu.transpose %get3A_41, [1, 0] : vector<64x512xf32> -> vector<512x64xf32>
    %swap3A_43 = arith.constant 3072 : index
    %swap3A_44 = arith.constant 0 : index
    %swap3A_45 = vector.load %arg2[%swap3A_43, %swap3A_44] : memref<10752x128xf32, #tpu.memory_space<vmem>>, vector<512x64xf32>
    tpu.vector_store %arg2[%swap3A_43, %swap3A_44], %transpose3A_42 {strides = array<i32>} : memref<10752x128xf32, #tpu.memory_space<vmem>>, vector<512x64xf32>,
    %get3A_46 = arith.constant 0 : index
    %get3A_47 = arith.constant 3584 : index
    %get3A_48 = vector.load %arg1[%get3A_46, %get3A_47] : memref<64x10752xf32, #tpu.memory_space<vmem>>, vector<64x512xf32>
    %transpose3A_49 = tpu.transpose %get3A_48, [1, 0] : vector<64x512xf32> -> vector<512x64xf32>
    %swap3A_50 = arith.constant 3584 : index
    %swap3A_51 = arith.constant 0 : index
    %swap3A_52 = vector.load %arg2[%swap3A_50, %swap3A_51] : memref<10752x128xf32, #tpu.memory_space<vmem>>, vector<512x64xf32>
    tpu.vector_store %arg2[%swap3A_50, %swap3A_51], %transpose3A_49 {strides = array<i32>} : memref<10752x128xf32, #tpu.memory_space<vmem>>, vector<512x64xf32>,
    %get3A_53 = arith.constant 0 : index
    %get3A_54 = arith.constant 4096 : index
    %get3A_55 = vector.load %arg1[%get3A_53, %get3A_54] : memref<64x10752xf32, #tpu.memory_space<vmem>>, vector<64x512xf32>
    %transpose3A_56 = tpu.transpose %get3A_55, [1, 0] : vector<64x512xf32> -> vector<512x64xf32>
    %swap3A_57 = arith.constant 4096 : index
    %swap3A_58 = arith.constant 0 : index
    %swap3A_59 = vector.load %arg2[%swap3A_57, %swap3A_58] : memref<10752x128xf32, #tpu.memory_space<vmem>>, vector<512x64xf32>
    tpu.vector_store %arg2[%swap3A_57, %swap3A_58], %transpose3A_56 {strides = array<i32>} : memref<10752x128xf32, #tpu.memory_space<vmem>>, vector<512x64xf32>,
    %get3A_60 = arith.constant 0 : index
    %get3A_61 = arith.constant 4608 : index
    %get3A_62 = vector.load %arg1[%get3A_60, %get3A_61] : memref<64x10752xf32, #tpu.memory_space<vmem>>, vector<64x512xf32>
    %transpose3A_63 = tpu.transpose %get3A_62, [1, 0] : vector<64x512xf32> -> vector<512x64xf32>
    %swap3A_64 = arith.constant 4608 : index
    %swap3A_65 = arith.constant 0 : index
    %swap3A_66 = vector.load %arg2[%swap3A_64, %swap3A_65] : memref<10752x128xf32, #tpu.memory_space<vmem>>, vector<512x64xf32>
    tpu.vector_store %arg2[%swap3A_64, %swap3A_65], %transpose3A_63 {strides = array<i32>} : memref<10752x128xf32, #tpu.memory_space<vmem>>, vector<512x64xf32>,
    %get3A_67 = arith.constant 0 : index
    %get3A_68 = arith.constant 5120 : index
    %get3A_69 = vector.load %arg1[%get3A_67, %get3A_68] : memref<64x10752xf32, #tpu.memory_space<vmem>>, vector<64x512xf32>
    %transpose3A_70 = tpu.transpose %get3A_69, [1, 0] : vector<64x512xf32> -> vector<512x64xf32>
    %swap3A_71 = arith.constant 5120 : index
    %swap3A_72 = arith.constant 0 : index
    %swap3A_73 = vector.load %arg2[%swap3A_71, %swap3A_72] : memref<10752x128xf32, #tpu.memory_space<vmem>>, vector<512x64xf32>
    tpu.vector_store %arg2[%swap3A_71, %swap3A_72], %transpose3A_70 {strides = array<i32>} : memref<10752x128xf32, #tpu.memory_space<vmem>>, vector<512x64xf32>,
    %get3A_74 = arith.constant 0 : index
    %get3A_75 = arith.constant 5632 : index
    %get3A_76 = vector.load %arg1[%get3A_74, %get3A_75] : memref<64x10752xf32, #tpu.memory_space<vmem>>, vector<64x512xf32>
    %transpose3A_77 = tpu.transpose %get3A_76, [1, 0] : vector<64x512xf32> -> vector<512x64xf32>
    %swap3A_78 = arith.constant 5632 : index
    %swap3A_79 = arith.constant 0 : index
    %swap3A_80 = vector.load %arg2[%swap3A_78, %swap3A_79] : memref<10752x128xf32, #tpu.memory_space<vmem>>, vector<512x64xf32>
    tpu.vector_store %arg2[%swap3A_78, %swap3A_79], %transpose3A_77 {strides = array<i32>} : memref<10752x128xf32, #tpu.memory_space<vmem>>, vector<512x64xf32>,
    %get3A_81 = arith.constant 0 : index
    %get3A_82 = arith.constant 6144 : index
    %get3A_83 = vector.load %arg1[%get3A_81, %get3A_82] : memref<64x10752xf32, #tpu.memory_space<vmem>>, vector<64x512xf32>
    %transpose3A_84 = tpu.transpose %get3A_83, [1, 0] : vector<64x512xf32> -> vector<512x64xf32>
    %swap3A_85 = arith.constant 6144 : index
    %swap3A_86 = arith.constant 0 : index
    %swap3A_87 = vector.load %arg2[%swap3A_85, %swap3A_86] : memref<10752x128xf32, #tpu.memory_space<vmem>>, vector<512x64xf32>
    tpu.vector_store %arg2[%swap3A_85, %swap3A_86], %transpose3A_84 {strides = array<i32>} : memref<10752x128xf32, #tpu.memory_space<vmem>>, vector<512x64xf32>,
    %get3A_88 = arith.constant 0 : index
    %get3A_89 = arith.constant 6656 : index
    %get3A_90 = vector.load %arg1[%get3A_88, %get3A_89] : memref<64x10752xf32, #tpu.memory_space<vmem>>, vector<64x512xf32>
    %transpose3A_91 = tpu.transpose %get3A_90, [1, 0] : vector<64x512xf32> -> vector<512x64xf32>
    %swap3A_92 = arith.constant 6656 : index
    %swap3A_93 = arith.constant 0 : index
    %swap3A_94 = vector.load %arg2[%swap3A_92, %swap3A_93] : memref<10752x128xf32, #tpu.memory_space<vmem>>, vector<512x64xf32>
    tpu.vector_store %arg2[%swap3A_92, %swap3A_93], %transpose3A_91 {strides = array<i32>} : memref<10752x128xf32, #tpu.memory_space<vmem>>, vector<512x64xf32>,
    %get3A_95 = arith.constant 0 : index
    %get3A_96 = arith.constant 7168 : index
    %get3A_97 = vector.load %arg1[%get3A_95, %get3A_96] : memref<64x10752xf32, #tpu.memory_space<vmem>>, vector<64x512xf32>
    %transpose3A_98 = tpu.transpose %get3A_97, [1, 0] : vector<64x512xf32> -> vector<512x64xf32>
    %swap3A_99 = arith.constant 7168 : index
    %swap3A_100 = arith.constant 0 : index
    %swap3A_101 = vector.load %arg2[%swap3A_99, %swap3A_100] : memref<10752x128xf32, #tpu.memory_space<vmem>>, vector<512x64xf32>
    tpu.vector_store %arg2[%swap3A_99, %swap3A_100], %transpose3A_98 {strides = array<i32>} : memref<10752x128xf32, #tpu.memory_space<vmem>>, vector<512x64xf32>,
    %get3A_102 = arith.constant 0 : index
    %get3A_103 = arith.constant 7680 : index
    %get3A_104 = vector.load %arg1[%get3A_102, %get3A_103] : memref<64x10752xf32, #tpu.memory_space<vmem>>, vector<64x512xf32>
    %transpose3A_105 = tpu.transpose %get3A_104, [1, 0] : vector<64x512xf32> -> vector<512x64xf32>
    %swap3A_106 = arith.constant 7680 : index
    %swap3A_107 = arith.constant 0 : index
    %swap3A_108 = vector.load %arg2[%swap3A_106, %swap3A_107] : memref<10752x128xf32, #tpu.memory_space<vmem>>, vector<512x64xf32>
    tpu.vector_store %arg2[%swap3A_106, %swap3A_107], %transpose3A_105 {strides = array<i32>} : memref<10752x128xf32, #tpu.memory_space<vmem>>, vector<512x64xf32>,
    %get3A_109 = arith.constant 0 : index
    %get3A_110 = arith.constant 8192 : index
    %get3A_111 = vector.load %arg1[%get3A_109, %get3A_110] : memref<64x10752xf32, #tpu.memory_space<vmem>>, vector<64x512xf32>
    %transpose3A_112 = tpu.transpose %get3A_111, [1, 0] : vector<64x512xf32> -> vector<512x64xf32>
    %swap3A_113 = arith.constant 8192 : index
    %swap3A_114 = arith.constant 0 : index
    %swap3A_115 = vector.load %arg2[%swap3A_113, %swap3A_114] : memref<10752x128xf32, #tpu.memory_space<vmem>>, vector<512x64xf32>
    tpu.vector_store %arg2[%swap3A_113, %swap3A_114], %transpose3A_112 {strides = array<i32>} : memref<10752x128xf32, #tpu.memory_space<vmem>>, vector<512x64xf32>,
    %get3A_116 = arith.constant 0 : index
    %get3A_117 = arith.constant 8704 : index
    %get3A_118 = vector.load %arg1[%get3A_116, %get3A_117] : memref<64x10752xf32, #tpu.memory_space<vmem>>, vector<64x512xf32>
    %transpose3A_119 = tpu.transpose %get3A_118, [1, 0] : vector<64x512xf32> -> vector<512x64xf32>
    %swap3A_120 = arith.constant 8704 : index
    %swap3A_121 = arith.constant 0 : index
    %swap3A_122 = vector.load %arg2[%swap3A_120, %swap3A_121] : memref<10752x128xf32, #tpu.memory_space<vmem>>, vector<512x64xf32>
    tpu.vector_store %arg2[%swap3A_120, %swap3A_121], %transpose3A_119 {strides = array<i32>} : memref<10752x128xf32, #tpu.memory_space<vmem>>, vector<512x64xf32>,
    %get3A_123 = arith.constant 0 : index
    %get3A_124 = arith.constant 9216 : index
    %get3A_125 = vector.load %arg1[%get3A_123, %get3A_124] : memref<64x10752xf32, #tpu.memory_space<vmem>>, vector<64x512xf32>
    %transpose3A_126 = tpu.transpose %get3A_125, [1, 0] : vector<64x512xf32> -> vector<512x64xf32>
    %swap3A_127 = arith.constant 9216 : index
    %swap3A_128 = arith.constant 0 : index
    %swap3A_129 = vector.load %arg2[%swap3A_127, %swap3A_128] : memref<10752x128xf32, #tpu.memory_space<vmem>>, vector<512x64xf32>
    tpu.vector_store %arg2[%swap3A_127, %swap3A_128], %transpose3A_126 {strides = array<i32>} : memref<10752x128xf32, #tpu.memory_space<vmem>>, vector<512x64xf32>,
    %get3A_130 = arith.constant 0 : index
    %get3A_131 = arith.constant 9728 : index
    %get3A_132 = vector.load %arg1[%get3A_130, %get3A_131] : memref<64x10752xf32, #tpu.memory_space<vmem>>, vector<64x512xf32>
    %transpose3A_133 = tpu.transpose %get3A_132, [1, 0] : vector<64x512xf32> -> vector<512x64xf32>
    %swap3A_134 = arith.constant 9728 : index
    %swap3A_135 = arith.constant 0 : index
    %swap3A_136 = vector.load %arg2[%swap3A_134, %swap3A_135] : memref<10752x128xf32, #tpu.memory_space<vmem>>, vector<512x64xf32>
    tpu.vector_store %arg2[%swap3A_134, %swap3A_135], %transpose3A_133 {strides = array<i32>} : memref<10752x128xf32, #tpu.memory_space<vmem>>, vector<512x64xf32>,
    %get3A_137 = arith.constant 0 : index
    %get3A_138 = arith.constant 10240 : index
    %get3A_139 = vector.load %arg1[%get3A_137, %get3A_138] : memref<64x10752xf32, #tpu.memory_space<vmem>>, vector<64x512xf32>
    %transpose3A_140 = tpu.transpose %get3A_139, [1, 0] : vector<64x512xf32> -> vector<512x64xf32>
    %swap3A_141 = arith.constant 10240 : index
    %swap3A_142 = arith.constant 0 : index
    %swap3A_143 = vector.load %arg2[%swap3A_141, %swap3A_142] : memref<10752x128xf32, #tpu.memory_space<vmem>>, vector<512x64xf32>
    tpu.vector_store %arg2[%swap3A_141, %swap3A_142], %transpose3A_140 {strides = array<i32>} : memref<10752x128xf32, #tpu.memory_space<vmem>>, vector<512x64xf32>,
    return
  }
  func.func @transform_0(%arg0: i32) -> (i32, i32) {
    %c0_i32 = arith.constant 0 : i32
    %c0_i32_0 = arith.constant 0 : i32
    return %c0_i32, %arg0 : i32, i32
  }
  func.func @transform_1(%arg0: i32) -> (i32, i32) {
    %c0_i32 = arith.constant 0 : i32
    %c0_i32_0 = arith.constant 0 : i32
    return %arg0, %c0_i32 : i32, i32
  }
}

</mosaic_0001>

<sc_bundles>
// kernel: kernel.4.cloned.1.call-start
scs
__scs_entry_jumppad:
0x0: {  	(pc) =	sbr.rel $0x88, $3  }
0x1: {  	(tag) =	ssettag $0x0;
	lr =	simm.s32 $0x1  }
0x2: {  	[smem:$0x3F9F] =	sst lr;
	_ =	strace $0xD0000000  }
0x3: {  	_ = 	snop  }
0x4: {  	_ = 	snop  }
0x5: {  	_ = 	snop  }
0x6: {  	_ = 	snop  }
0x7: {  	_ = 	snop  }
__scs_overlays_trampoline_lowered:
0x8: {  	[smem:$0x3FAE] =	sst s0  }
0x9: {  	[smem:$0x3FAF] =	sst s1  }
0xa: {  	[smem:$0x3FB0] =	sst s2  }
0xb: {  	[smem:$0x3FB1] =	sst s3  }
0xc: {  	[smem:$0x3FB2] =	sst s4  }
0xd: {  	[smem:$0x3FB3] =	sst s5  }
0xe: {  	[smem:$0x3FB4] =	sst s6  }
0xf: {  	[smem:$0x3FB5] =	sst s7  }
0x10: {  	[smem:$0x3FB6] =	sst s8  }
0x11: {  	[smem:$0x3FB7] =	sst s9;
	s0 =	simm.s32 @!p0 $0x0  }
0x12: {  	s1 =	sld [smem:$0x3F9D];
	s0 =	simm.s32 @p0 $0x1  }
0x13: {  	[smem:$0x3FB8] =	sst s0;
	s0 =	simm.s32 @!p1 $0x0  }
0x14: {  	s2 =	sld [smem:$0x3F9C];
	s0 =	simm.s32 @p1 $0x1  }
0x15: {  	[smem:$0x3FB9] =	sst s0;
	s0 =	simm.s32 @!p2 $0x0  }
0x16: {  	s3 =	sld [smem:$0x3FDB];
	s0 =	simm.s32 @p2 $0x1  }
0x17: {  	s4 =	simm.s32 $0x1BF5;
	[smem:$0x3FBB] =	sst s0  }
0x18: {  	s0 =	sld [smem:$0x3F9E];
	_ =	swait.ge [sflag:s4], $0x0  }
0x19: {  	s7 =	sld [smem:$0x3F9F]  }
0x1a: {  	s8 =	sadd.s32 $0xFFFFE003, lr  }
0x1b: {  	s9 =	sadd.s32 $0xFFFFFEF7, lr;
	s5 =	simm.s32 $0xFFFFFFFF;
	p2 =	slt.u32 s8, $0xFFFFF086  }
0x1c: {  	p1 =	slt.u32 s9, $0xF7A;
	s5 =	simm.s32 @!p2 $0x0  }
0x1d: {  	s5 =	simm.s32 @p1 $0x1;
	p0 =	seq.s32 s7, s2  }
0x1e: {  	s7 =	smul.u32 @!p0 $0xF7A, s2;
	p2 =	seq.s32 @!p0 s5, $0x0  }
0x1f: {  	s9 =	smul.u32 $0xF7A, s1;
	s8 =	simm.s32 @!p0 $0x1BF5;
	p2 =	por !p2, p0  }
0x20: {  	[sflag:s8] =	ssyncset.s32 @!p0 $0xFFFFF086;
	s6 =	sadd.s32 @!p0 s3, s7;
	s7 =	simm.s32 @!p0 $0x108  }
0x21: {  	s3 =	sadd.s32 s3, s9;
	s6 =	sadd.s32 @!p0 $0x88, s6;
	s7 =	simm.s32 @p2 $0x1082  }
0x22: {  	[simem:s7], [sflag:s8] =	dma.local @!p0 [hbm:s6], $0xF7A  }
0x23: {  	s9 =	sor.u32 $0xD0000000, s2;
	s6 =	simm.s32 $0x108;
	_ =	swait.ge @!p0 [sflag:s8], $0x0  }
0x24: {  	s3 =	sadd.s32 $0x88, s3;
	s6 =	simm.s32 @!p1 $0x1082;
	[sflag:s4] =	ssyncset.s32 $0xFFFFF086  }
0x25: {  	[simem:s6], [sflag:s4] =	dma.local [hbm:s3], $0xF7A  }
0x26: {  	[smem:$0x3F9F] =	sst s1;
	(tag) =	ssettag s2;
	_ =	strace s9  }
0x27: {  	s1 =	sld [smem:$0x3FAF]  }
0x28: {  	s2 =	sld [smem:$0x3FB0]  }
0x29: {  	s4 =	sld [smem:$0x3FB2]  }
0x2a: {  	p0 =	seq.s32 s5, $0x0;
	s5 =	sld [smem:$0x3FB3]  }
0x2b: {  	s6 =	sld [smem:$0x3FB4]  }
0x2c: {  	s7 =	sld [smem:$0x3FB5]  }
0x2d: {  	s3 =	simm.s32 $0x108;
	s8 =	sld [smem:$0x3FB6]  }
0x2e: {  	s3 =	simm.s32 @!p0 $0x1082;
	s9 =	sld [smem:$0x3FB7]  }
0x2f: {  	lr =	sadd.s32 s0, s3;
	s0 =	sld [smem:$0x3FAE]  }
0x30: {  	s3 =	sld [smem:$0x3FB1]  }
0x31: {  	[smem:$0x3FBA] =	sst s10  }
0x32: {  	s10 =	sld [smem:$0x3FB8];
	_ =	sdelay $0x3  }
0x33: {  	p0 =	seq.s32 s10, $0x1;
	s10 =	sld [smem:$0x3FBA];
	_ =	sdelay $0x3  }
0x34: {  	[smem:$0x3FBA] =	sst s10  }
0x35: {  	s10 =	sld [smem:$0x3FB9];
	_ =	sdelay $0x3  }
0x36: {  	p1 =	seq.s32 s10, $0x1;
	s10 =	sld [smem:$0x3FBA];
	_ =	sdelay $0x3  }
0x37: {  	[smem:$0x3FBA] =	sst s10  }
0x38: {  	s10 =	sld [smem:$0x3FBB]  }
0x39: {  	_ = 	snop;
	(pc) =	sbr.ind lr, $3  }
0x3a: {  	_ = 	snop  }
0x3b: {  	_ = 	snop  }
0x3c: {  	p2 =	seq.s32 s10, $0x1;
	s10 =	sld [smem:$0x3FBA]  }
0x3d: {  	_ =	shalt  }
0x3e: {  	_ =	shalt  }
0x3f: {  	_ =	shalt  }
0x40: {  	_ =	shalt  }
0x41: {  	_ =	shalt  }
0x42: {  	_ =	shalt  }
0x43: {  	_ =	shalt  }
0x44: {  	_ =	shalt  }
0x45: {  	_ =	shalt  }
0x46: {  	_ =	shalt  }
0x47: {  	_ =	shalt  }
0x48: {  	_ =	shalt  }
0x49: {  	_ =	shalt  }
0x4a: {  	_ =	shalt  }
0x4b: {  	_ =	shalt  }
0x4c: {  	_ =	shalt  }
0x4d: {  	_ =	shalt  }
0x4e: {  	_ =	shalt  }
0x4f: {  	_ =	shalt  }
0x50: {  	_ =	shalt  }
0x51: {  	_ =	shalt  }
0x52: {  	_ =	shalt  }
0x53: {  	_ =	shalt  }
0x54: {  	_ =	shalt  }
0x55: {  	_ =	shalt  }
0x56: {  	_ =	shalt  }
0x57: {  	_ =	shalt  }
0x58: {  	_ =	shalt  }
0x59: {  	_ =	shalt  }
0x5a: {  	_ =	shalt  }
0x5b: {  	_ =	shalt  }
0x5c: {  	_ =	shalt  }
0x5d: {  	_ =	shalt  }
0x5e: {  	_ =	shalt  }
0x5f: {  	_ =	shalt  }
0x60: {  	_ =	shalt  }
0x61: {  	_ =	shalt  }
0x62: {  	_ =	shalt  }
0x63: {  	_ =	shalt  }
0x64: {  	_ =	shalt  }
0x65: {  	_ =	shalt  }
0x66: {  	_ =	shalt  }
0x67: {  	_ =	shalt  }
0x68: {  	_ =	shalt  }
0x69: {  	_ =	shalt  }
0x6a: {  	_ =	shalt  }
0x6b: {  	_ =	shalt  }
0x6c: {  	_ =	shalt  }
0x6d: {  	_ =	shalt  }
0x6e: {  	_ =	shalt  }
0x6f: {  	_ =	shalt  }
0x70: {  	_ =	shalt  }
0x71: {  	_ =	shalt  }
0x72: {  	_ =	shalt  }
0x73: {  	_ =	shalt  }
0x74: {  	_ =	shalt  }
0x75: {  	_ =	shalt  }
0x76: {  	_ =	shalt  }
0x77: {  	_ =	shalt  }
0x78: {  	_ =	shalt  }
0x79: {  	_ =	shalt  }
0x7a: {  	_ =	shalt  }
0x7b: {  	_ =	shalt  }
0x7c: {  	_ =	shalt  }
0x7d: {  	_ =	shalt  }
0x7e: {  	_ =	shalt  }
0x7f: {  	_ =	shalt  }
0x80: {  	_ =	shalt  }
0x81: {  	_ =	shalt  }
0x82: {  	_ =	shalt  }
0x83: {  	_ =	shalt  }
0x84: {  	_ =	shalt  }
0x85: {  	_ =	shalt  }
0x86: {  	_ =	shalt  }
0x87: {  	_ =	shalt  }
.Lfunc_end0:
.L_simem_size_0:
called_computation_lowered:
.L_overlay_start_0:
0x88: {  	s2 =	sld [smem:$0x3FD9]  }
0x89: {  	s3 =	sld [smem:$0x3FFE];
	_ =	sdelay $0x1  }
0x8a: {  	s1 =	srdreg.scid  }
0x8b: {  	s0 =	sand.u32 $0x1, s1  }
0x8c: {  	s17 =	sshll.u32 s0, $0xA;
	s2 =	sadd.s32 s3, s2  }
0x8d: {  	s2 =	sadd.s32 s2, s17  }
0x8e: {  	[smem:$0x3FC6] =	sst s2  }
0x8f: {  	_ = 	snop  }
0x90: {  	s2 =	sld [smem:$0x3FD0];
	(tm) =	ssettm $0x1  }
0x91: {  	s18 =	sld [smem:$0x3FFB];
	_ =	sdelay $0x3  }
0x92: {  	_ =	strace s18  }
0x93: {  	s3 =	sld [smem:$0x3FFC];
	_ =	sdelay $0x3  }
0x94: {  	_ =	strace s3  }
0x95: {  	s3 =	sld [smem:$0x3FFD];
	_ =	sdelay $0x3  }
0x96: {  	_ =	strace s3  }
0x97: {  	_ =	strace $0x8FFFFFFF  }
0x98: {  	s19 =	sld [smem:$0x3FDB];
	_ =	sdelay $0x1  }
0x99: {  	s4 =	simm.s32 $_scs_section_size  }
0x9a: {  	s5 =	simm.s32 $_size__tile_overlayer_lowered;
	s6 =	simm.s32 $_tile_overlayer_lowered  }
0x9b: {  	s22 =	simm.s32 $0x1BFF;
	s21 =	sshll.u32 s6, $0x1;
	s3 =	sadd.s32 s4, s19  }
0x9c: {  	s7 =	simm.s32 $0x0;
	s20 =	sshll.u32 s5, $0x1;
	s5 =	sadd.s32 s21, s3  }
0x9d: {  	[timem:s7], [sflag:s22] =	dma.local [hbm:s5], s20  }
0x9e: {  	_ =	swait.ge [sflag:s22], s20  }
0x9f: {  	s4 =	ssub.s32 $0x0, s20;
	[sflag:s22] =	ssyncset.done $0x0  }
0xa0: {  	[sflag:s22] =	ssyncadd.s32 s4;
	_ =	sdelay $0x1  }
0xa1: {  	s23 =	simm.s32 $0x1B8B  }
0xa2: {  	_ =	swait.ge [sflag:s23], $0x1  }
0xa3: {  	[sflag:s23] =	ssyncset.done $0x0  }
0xa4: {  	s25 =	simm.s32 $0x1B8E;
	s24 =	sld [smem:$0x3FFE];
	[sflag:s23] =	ssyncadd.s32 $0xFFFFFFFF  }
0xa5: {  	s26 =	simm.s32 $execute0_lowered;
	[smem:$0x3FD2] =	sst s25  }
0xa6: {  	s5 =	sshll.u32 s26, $0x1;
	_ =	strace $0x80000046;
	[dreg:$0x1] =	wrdreg $0xFFFFFFFF  }
0xa7: {  	s28 =	simm.s32 $_size_execute0_lowered;
	s3 =	sadd.s32 s3, s5;
	[dreg:$0x0] =	wrdreg $0x0  }
0xa8: {  	s5 =	sshll.u32 s28, $0x1;
	[dreg:$0x2] =	wrdreg s3  }
0xa9: {  	[dreg:$0x3] =	wrdreg s5  }
0xaa: {  	[dreg:$0x4] =	wrdreg $0xC0  }
0xab: {  	_ =	task [dreg:s7], $0x5FFFF  }
0xac: {  	[dreg:$0x1] =	wrdreg $0xFFFFFFFF  }
0xad: {  	[dreg:$0x0] =	wrdreg $0x60  }
0xae: {  	[dreg:$0x2] =	wrdreg s24  }
0xaf: {  	[dreg:$0x3] =	wrdreg s2  }
0xb0: {  	[dreg:$0x4] =	wrdreg $0x9  }
0xb1: {  	_ =	task.clear_ibuf [dreg:s7], $0x5FFFF;
	_ =	strace $0x90000046  }
0xb2: {  	s29 =	simm.s32 $0x9;
	_ =	strace $0x80000048  }
0xb3: {  	_ =	swait.ge [sflag:s29], $0x1  }
0xb4: {  	[sflag:s29] =	ssyncadd.s32 $0xFFFFFFFF  }
0xb5: {  	_ =	strace $0x90000048  }
0xb6: {  	_ =	sfence  }
0xb7: {  	s30 =	sld [smem:$0x0];
	_ =	sdelay $0x2  }
0xb8: {  	s31 =	sshll.u32 s1, $0xD;
	s1 =	sshrl.u32 s1, $0x2  }
0xb9: {  	s3 =	sand.u32 $0x4000, s31;
	s1 =	sadd.s32 s1, s30  }
0xba: {  	s0 =	sor.u32 s3, s0;
	s1 =	sshll.u32 s1, $0x11  }
0xbb: {  	s0 =	sor.u32 s1, s0  }
0xbc: {  	s0 =	sadd.s32 $0x8F2B, s0  }
0xbd: {  	[sflag:s0] =	ssyncadd.remote.s32 $0x1  }
0xbe: {  	_ =	sfence.sel $0xFFFF  }
0xbf: {  	[dreg:$0x0] =	wrdreg $0xFFFFFFFF;
	(pc) =	sbr.abs _section_cstart, $3  }
0xc0: {  	[dreg:$0x1] =	wrdreg $0xFFFFFFFF  }
0xc1: {  	_ =	task.clear_ibuf [dreg:s7], $0x2FFFF;
	_ =	strace $0x9FFFFFFF  }
0xc2: {  	(tm) =	ssettm $0x7FFFFFFF  }
0xc3: {  	_ =	shalt  }
tec
execute0_lowered:
.L_overlay_start_1:
0x0: {  	(tag) =	ssettag $0x1  }
0x1: {  	s4 =	rddreg [dreg:$0x0]  }
0x2: {  	s5 =	rddreg [dreg:$0x1]  }
0x3: {  	s0 =	rddreg [dreg:$0x2]  }
0x4: {  	s2 =	simm.s32 $0x0;
	s3 =	srdreg.scid;
	s1 =	stileid.u32  }
0x5: {  	s10 =	simm.s32 $0x4400;
	s11 =	simm.s32 $0x100;
	s12 =	simm.s32 $0x8400  }
0x6: {  	s13 =	simm.s32 $0x180;
	s14 =	simm.s32 $0xC400;
	s15 =	simm.s32 $0x1  }
0x7: {  	s16 =	simm.s32 $0x200;
	s17 =	simm.s32 $0x280;
	s18 =	simm.s32 $0x300  }
0x8: {  	s19 =	simm.s32 $0x380;
	s20 =	simm.s32 $0x10400;
	s21 =	simm.s32 $0x0  }
0x9: {  	[smem:$0x7FF] =	sst s2;
	s3 =	sand.u32 $0x1, s3;
	s6 =	sshll.u32 s1, $0x1  }
0xa: {  	_ =	strace $0x80000047;
	s6 =	sor.u32 s3, s6;
	s7 =	ssub.s32 $0x2, s3  }
0xb: {  	s3 =	sadd.s32 $0x1400, s4;
	s8 =	sshll.u32 s6, $0x7;
	s9 =	sshrl.u32 s7, $0x1  }
0xc: {  	s6 =	sshll.u32 s6, $0x6;
	s4 =	sadd.s32 s8, s4;
	s7 =	ssub.s32 s7, s9  }
0xd: {  	s5 =	sadd.s32 s5, s6;
	s8 =	simm.s32 $0x80;
	s9 =	simm.s32 $0x400  }
0xe: {  	v0 =	vlaneseq.u32;
	s4 =	sadd.s32 $0x400, s4;
	s6 =	smax.u32 s7, $0x1;
	s7 =	simm.s32 $0x2  }
.LBB2_1:
0xf: {  	[tilespmem:s2], [sflag:$0x2] =	stream.linear.gather [hbm4b:s4+s2], $0x400, $0x38;
	[tilespmem:$0x10600] =	vst v63  }
0x10: {  	_ =	swait.ge [sflag:s7], $0x400  }
0x11: {  	[sflag:s7] =	ssyncset.done $0x0  }
0x12: {  	[sflag:s7] =	ssyncadd.s32 $0xFFFFFC00  }
0x13: {  	[tilespmem:s9], [sflag:$0x1] =	stream.indirect.gather [hbm4b:s3+s8], $0x80, s2, s8, $0xb8;
	[tilespmem:$0x10600] =	vst v63  }
0x14: {  	_ = 	snop  }
0x15: {  	[tilespmem:s10], [sflag:$0x1] =	stream.indirect.gather [hbm4b:s3+s8], $0x80, s8, s8, $0xb8;
	[tilespmem:$0x10600] =	vst v63  }
0x16: {  	_ = 	snop  }
0x17: {  	[tilespmem:s12], [sflag:$0x1] =	stream.indirect.gather [hbm4b:s3+s8], $0x80, s11, s8, $0xb8;
	[tilespmem:$0x10600] =	vst v63  }
0x18: {  	_ = 	snop  }
0x19: {  	[tilespmem:s14], [sflag:$0x1] =	stream.indirect.gather [hbm4b:s3+s8], $0x80, s13, s8, $0xb8;
	[tilespmem:$0x10600] =	vst v63  }
0x1a: {  	_ =	swait.ge [sflag:s15], $0x4000  }
0x1b: {  	[sflag:s15] =	ssyncset.done $0x0  }
0x1c: {  	[sflag:s15] =	ssyncadd.s32 $0xFFFFC000  }
0x1d: {  	_ =	swait.ge [sflag:s15], $0x4000  }
0x1e: {  	[sflag:s15] =	ssyncset.done $0x0  }
0x1f: {  	[sflag:s15] =	ssyncadd.s32 $0xFFFFC000  }
0x20: {  	_ =	swait.ge [sflag:s15], $0x4000  }
0x21: {  	[sflag:s15] =	ssyncset.done $0x0  }
0x22: {  	[sflag:s15] =	ssyncadd.s32 $0xFFFFC000  }
0x23: {  	_ =	swait.ge [sflag:s15], $0x4000  }
0x24: {  	[sflag:s15] =	ssyncset.done $0x0  }
0x25: {  	s22 =	simm.s32 $0x480;
	[sflag:s15] =	ssyncadd.s32 $0xFFFFC000  }
0x26: {  	v1 =	vld [tilespmem:s22+$0xFFFFFFA0]  }
0x27: {  	v2 =	vld [tilespmem:s22+$0xFFFFFF80]  }
0x28: {  	v3 =	vld [tilespmem:s22+$0x20]  }
0x29: {  	v4 =	vld [tilespmem:s22+$0xFFFFFFB0]  }
0x2a: {  	v5 =	vld [tilespmem:s22+$0xFFFFFF90]  }
0x2b: {  	v6 =	vld [tilespmem:s22+$0x0]  }
0x2c: {  	v7 =	vld [tilespmem:s22+$0x30]  }
0x2d: {  	v8 =	vld [tilespmem:s22+$0x10];
	_ =	sdelay $0x2  }
0x2e: {  	v9 =	vmax.f32 v1, v3;
	v1 =	vmin.f32 v1, v3;
	v10 =	vmax.f32 v2, v6  }
0x2f: {  	v2 =	vmin.f32 v2, v6;
	v11 =	vmax.f32 v4, v7;
	v1 =	vsub.f32 v1, v9  }
0x30: {  	v4 =	vmin.f32 v4, v7;
	v12 =	vmax.f32 v5, v8;
	v2 =	vsub.f32 v2, v10  }
0x31: {  	v5 =	vmin.f32 v5, v8;
	v4 =	vsub.f32 v4, v11;
	v1 =	vmul.f32 $1.000000000e+02, v1  }
0x32: {  	v5 =	vsub.f32 v5, v12;
	v2 =	vmul.f32 $1.000000000e+02, v2  }
0x33: {  	v4 =	vmul.f32 $1.000000000e+02, v4;
	v1 =	vmul.f32 $1.442695020e+00, v1  }
0x34: {  	v5 =	vmul.f32 $1.000000000e+02, v5;
	v2 =	vmul.f32 $1.442695020e+00, v2  }
0x35: {  	v4 =	vmul.f32 $1.442695020e+00, v4;
	(erf) = vpow2.f32 v1  }
0x36: {  	v1 =	vmul.f32 $1.442695020e+00, v5;
	(erf) = vpow2.f32 v2  }
0x37: {  	(erf) = vpow2.f32 v4  }
0x38: {  	(erf) = vpow2.f32 v1;
	_ =	sdelay $0x5  }
0x39: {  	v1 =	vpop (erf)  }
0x3a: {  	v62 =	vpop (erf)  }
0x3b: {  	v2 =	vmul.f32 $5.617694930e-02, v1;
	v63 =	vpop (erf)  }
0x3c: {  	v13 =	vmul.f32 $5.617694930e-02, v62;
	v14 =	vpop (erf)  }
0x3d: {  	v2 =	vadd.f32 $-1.841776370e-01, v2;
	v16 =	vmul.f32 $5.617694930e-02, v63;
	v15 =	vmul.f32 $5.617694930e-02, v14  }
0x3e: {  	v13 =	vadd.f32 $-1.841776370e-01, v13  }
0x3f: {  	v2 =	vmul.f32 v2, v1;
	v16 =	vadd.f32 $-1.841776370e-01, v16;
	v15 =	vadd.f32 $-1.841776370e-01, v15  }
0x40: {  	v13 =	vmul.f32 v13, v62  }
0x41: {  	v2 =	vadd.f32 $3.209889530e-01, v2;
	v16 =	vmul.f32 v16, v63;
	v15 =	vmul.f32 v15, v14  }
0x42: {  	v13 =	vadd.f32 $3.209889530e-01, v13  }
0x43: {  	v2 =	vmul.f32 v2, v1;
	v16 =	vadd.f32 $3.209889530e-01, v16;
	v15 =	vadd.f32 $3.209889530e-01, v15  }
0x44: {  	v13 =	vmul.f32 v13, v62  }
0x45: {  	v2 =	vadd.f32 $-4.994405510e-01, v2;
	v16 =	vmul.f32 v16, v63;
	v15 =	vmul.f32 v15, v14  }
0x46: {  	v13 =	vadd.f32 $-4.994405510e-01, v13  }
0x47: {  	v2 =	vmul.f32 v2, v1;
	v16 =	vadd.f32 $-4.994405510e-01, v16;
	v15 =	vadd.f32 $-4.994405510e-01, v15  }
0x48: {  	v13 =	vmul.f32 v13, v62  }
0x49: {  	v2 =	vadd.f32 $1.000000000e+00, v2;
	v16 =	vmul.f32 v16, v63;
	v15 =	vmul.f32 v15, v14  }
0x4a: {  	v13 =	vadd.f32 $1.000000000e+00, v13  }
0x4b: {  	v1 =	vmul.f32 v2, v1;
	v20 =	vadd.f32 $1.000000000e+00, v16;
	v2 =	vadd.f32 $1.000000000e+00, v15  }
0x4c: {  	v4 =	vmul.f32 v13, v62  }
0x4d: {  	v5 =	vmul.f32 v20, v63;
	v2 =	vmul.f32 v2, v14  }
0x4e: {  	v1 =	vmul.f32 $9.999999770e-03, v1;
	v4 =	vmul.f32 $9.999999770e-03, v4  }
0x4f: {  	v3 =	vadd.f32 v3, v6;
	v5 =	vmul.f32 $9.999999770e-03, v5;
	v2 =	vmul.f32 $9.999999770e-03, v2  }
0x50: {  	v1 =	vadd.f32 v1, v9;
	v4 =	vadd.f32 v4, v10  }
0x51: {  	v5 =	vadd.f32 v5, v11;
	v2 =	vadd.f32 v2, v12  }
0x52: {  	v1 =	vadd.f32 v1, v4  }
0x53: {  	v3 =	vsub.f32 $0.0e+00, v3;
	v2 =	vadd.f32 v5, v2  }
0x54: {  	v1 =	vsub.f32 $0.0e+00, v1  }
0x55: {  	v21 =	vxor.u32 $0x80000000, v3;
	v2 =	vsub.f32 $0.0e+00, v2  }
0x56: {  	v22 =	vadd.f32 v7, v8;
	v4 =	vmin.f32 v3, v21;
	v23 =	vxor.u32 $0x80000000, v1  }
0x57: {  	v4 =	vmul.f32 $1.442695020e+00, v4;
	v6 =	vmin.f32 v1, v23;
	v24 =	vxor.u32 $0x80000000, v2  }
0x58: {  	v5 =	vsub.f32 $0.0e+00, v22;
	v6 =	vmul.f32 $1.442695020e+00, v6;
	v7 =	vmin.f32 v2, v24  }
0x59: {  	(erf) = vpow2.f32 v4;
	v7 =	vmul.f32 $1.442695020e+00, v7  }
0x5a: {  	v25 =	vxor.u32 $0x80000000, v5;
	(erf) = vpow2.f32 v6  }
0x5b: {  	v4 =	vmin.f32 v5, v25;
	(erf) = vpow2.f32 v7  }
0x5c: {  	v4 =	vmul.f32 $1.442695020e+00, v4;
	_ =	sdelay $0x1  }
0x5d: {  	(erf) = vpow2.f32 v4;
	_ =	sdelay $0x3  }
0x5e: {  	v26 =	vpop (erf)  }
0x5f: {  	v27 =	vmul.f32 $5.617694930e-02, v26;
	v28 =	vpop (erf)  }
0x60: {  	v29 =	vmul.f32 $5.617694930e-02, v28;
	v30 =	vpop (erf)  }
0x61: {  	v6 =	vadd.f32 $-1.841776370e-01, v27;
	v31 =	vmul.f32 $5.617694930e-02, v30  }
0x62: {  	v8 =	vadd.f32 $-1.841776370e-01, v29  }
0x63: {  	v6 =	vmul.f32 v6, v26;
	v32 =	vpop (erf);
	v10 =	vadd.f32 $-1.841776370e-01, v31  }
0x64: {  	v33 =	vmul.f32 $5.617694930e-02, v32;
	v8 =	vmul.f32 v8, v28  }
0x65: {  	v6 =	vadd.f32 $3.209889530e-01, v6;
	v10 =	vmul.f32 v10, v30  }
0x66: {  	v12 =	vadd.f32 $-1.841776370e-01, v33;
	v8 =	vadd.f32 $3.209889530e-01, v8  }
0x67: {  	v6 =	vmul.f32 v6, v26;
	v10 =	vadd.f32 $3.209889530e-01, v10  }
0x68: {  	v12 =	vmul.f32 v12, v32;
	v8 =	vmul.f32 v8, v28  }
0x69: {  	v6 =	vadd.f32 $-4.994405510e-01, v6;
	v10 =	vmul.f32 v10, v30  }
0x6a: {  	v12 =	vadd.f32 $3.209889530e-01, v12;
	v8 =	vadd.f32 $-4.994405510e-01, v8  }
0x6b: {  	v6 =	vmul.f32 v6, v26;
	v10 =	vadd.f32 $-4.994405510e-01, v10  }
0x6c: {  	v12 =	vmul.f32 v12, v32;
	v8 =	vmul.f32 v8, v28  }
0x6d: {  	v6 =	vadd.f32 $1.000000000e+00, v6;
	v10 =	vmul.f32 v10, v30  }
0x6e: {  	v12 =	vadd.f32 $-4.994405510e-01, v12;
	v8 =	vadd.f32 $1.000000000e+00, v8  }
0x6f: {  	v4 =	vmul.f32 v6, v26;
	v10 =	vadd.f32 $1.000000000e+00, v10  }
0x70: {  	v3 =	vmax.f32 v3, $0.0e+00;
	v35 =	vmul.f32 v12, v32;
	v34 =	vmul.f32 v8, v28  }
0x71: {  	v1 =	vmax.f32 v1, $0.0e+00;
	v3 =	vadd.f32 v4, v3;
	v36 =	vmul.f32 v10, v30  }
0x72: {  	v2 =	vmax.f32 v2, $0.0e+00;
	v37 =	vadd.f32 $1.000000000e+00, v35;
	v1 =	vadd.f32 v34, v1  }
0x73: {  	v3 =	vadd.f32 $9.999999990e-24, v3;
	v2 =	vadd.f32 v36, v2  }
0x74: {  	v4 =	vmul.f32 v37, v32;
	v1 =	vadd.f32 $9.999999990e-24, v1  }
0x75: {  	v5 =	vmax.f32 v5, $0.0e+00;
	v38 =	vand.u32 $0x7FFFFF, v3;
	v2 =	vadd.f32 $9.999999990e-24, v2  }
0x76: {  	v6 =	vor.u32 $0x3F800000, v38;
	v4 =	vadd.f32 v4, v5;
	v39 =	vand.u32 $0x7FFFFF, v1  }
0x77: {  	v42 =	vadd.f32 $1.000000000e+00, v6;
	v40 =	vor.u32 $0x3F800000, v39;
	v41 =	vand.u32 $0x7FFFFF, v2  }
0x78: {  	v4 =	vadd.f32 $9.999999990e-24, v4;
	v43 =	vadd.f32 $1.000000000e+00, v40;
	v7 =	vor.u32 $0x3F800000, v41  }
0x79: {  	(erf) = vrcp.f32 v42;
	v44 =	vadd.f32 $1.000000000e+00, v7  }
0x7a: {  	v45 =	vand.u32 $0x7FFFFF, v4;
	(erf) = vrcp.f32 v43  }
0x7b: {  	v8 =	vor.u32 $0x3F800000, v45;
	(erf) = vrcp.f32 v44  }
0x7c: {  	v46 =	vadd.f32 $1.000000000e+00, v8;
	_ =	sdelay $0x1  }
0x7d: {  	(erf) = vrcp.f32 v46;
	_ =	sdelay $0x3  }
0x7e: {  	v47 =	vpop (erf)  }
0x7f: {  	v5 =	vadd.f32 $-1.000000000e+00, v40;
	v7 =	vadd.f32 $-1.000000000e+00, v7;
	v48 =	vpop (erf)  }
0x80: {  	v3 =	vshra.s32 v3, $0x17;
	v6 =	vadd.f32 $-1.000000000e+00, v6;
	v49 =	vpop (erf)  }
0x81: {  	v3 =	vadd.s32 $0xFFFFFF81, v3;
	v5 =	vmul.f32 v48, v5;
	v7 =	vmul.f32 v49, v7  }
0x82: {  	v3 =	vcvt.s32.f32 v3;
	v8 =	vadd.f32 $-1.000000000e+00, v8;
	v6 =	vmul.f32 v47, v6  }
0x83: {  	v51 =	vmul.f32 v5, v5;
	v54 =	vpop (erf);
	v52 =	vmul.f32 v7, v7  }
0x84: {  	v50 =	vmul.f32 v6, v6;
	v8 =	vmul.f32 v54, v8  }
0x85: {  	v55 =	vmul.f32 $2.857142980e-01, v51;
	v56 =	vmul.f32 $2.857142980e-01, v52  }
0x86: {  	v53 =	vmul.f32 $2.857142980e-01, v50;
	v57 =	vmul.f32 v8, v8  }
0x87: {  	v14 =	vadd.f32 $4.000000060e-01, v55;
	v13 =	vadd.f32 $4.000000060e-01, v56  }
0x88: {  	v3 =	vmul.f32 $6.931471820e-01, v3;
	v12 =	vadd.f32 $4.000000060e-01, v53;
	v58 =	vmul.f32 $2.857142980e-01, v57  }
0x89: {  	v1 =	vshra.s32 v1, $0x17;
	v14 =	vmul.f32 v14, v51;
	v13 =	vmul.f32 v13, v52  }
0x8a: {  	v1 =	vadd.s32 $0xFFFFFF81, v1;
	v12 =	vmul.f32 v12, v50;
	v16 =	vadd.f32 $4.000000060e-01, v58  }
0x8b: {  	v1 =	vcvt.s32.f32 v1;
	v14 =	vadd.f32 $6.666666860e-01, v14;
	v13 =	vadd.f32 $6.666666860e-01, v13  }
0x8c: {  	v2 =	vshra.s32 v2, $0x17;
	v12 =	vadd.f32 $6.666666860e-01, v12;
	v59 =	vmul.f32 v16, v57  }
0x8d: {  	v2 =	vadd.s32 $0xFFFFFF81, v2;
	v10 =	vmul.f32 v14, v51;
	v11 =	vmul.f32 v13, v52  }
0x8e: {  	v2 =	vcvt.s32.f32 v2;
	v9 =	vmul.f32 v12, v50;
	v12 =	vadd.f32 $6.666666860e-01, v59  }
0x8f: {  	v1 =	vmul.f32 $6.931471820e-01, v1;
	v10 =	vadd.f32 $2.000000000e+00, v10;
	v11 =	vadd.f32 $2.000000000e+00, v11  }
0x90: {  	v2 =	vmul.f32 $6.931471820e-01, v2;
	v9 =	vadd.f32 $2.000000000e+00, v9;
	v60 =	vmul.f32 v12, v57  }
0x91: {  	v4 =	vshra.s32 v4, $0x17;
	v5 =	vmul.f32 v10, v5;
	v7 =	vmul.f32 v11, v7  }
0x92: {  	v4 =	vadd.s32 $0xFFFFFF81, v4;
	v61 =	vmul.f32 v9, v6;
	v62 =	vadd.f32 $2.000000000e+00, v60  }
0x93: {  	v4 =	vcvt.s32.f32 v4;
	v1 =	vadd.f32 v5, v1;
	v2 =	vadd.f32 v7, v2  }
0x94: {  	v3 =	vadd.f32 v61, v3  }
0x95: {  	v63 =	vmul.f32 v62, v8;
	v1 =	vadd.f32 v2, v1;
	v2 =	vmul.f32 $6.931471820e-01, v4;
	_ =	sdelay $0x1  }
0x96: {  	v1 =	vsub.f32 v1, v3;
	v2 =	vadd.f32 v63, v2;
	_ =	sdelay $0x1  }
0x97: {  	v1 =	vsub.f32 v1, v2;
	_ =	sdelay $0x1  }
0x98: {  	(xrf2) =	vadd.scan.msk.f32 $0xffff, v1;
	_ =	sdelay $0x9  }
0x99: {  	s23 =	sand.u32 $0xF, s2;
	v1, _, _ =	vpop (xrf2)  }
0x9a: {  	v2 =	vmov s23;
	v1 =	vbroadcast v1, $0xF  }
0x9b: {  	v3 =	vimm.f32 $0.0e+00;
	vm0 =	veq.s32 v2, v0  }
0x9c: {  	p0 =	sne.s32 s23, $0xF;
	s22 =	simm.s32 $0x103F1;
	v1 =	vsel vm0, v1, v3  }
0x9d: {  	s24 =	simm.s32 $0x580;
	s23 =	simm.s32 $0x1;
	[tilespmem:s22+$0x0] =	vst @!p0 v1  }
.LBB2_2:
0x9e: {  	v4 =	vld [tilespmem:s24+$0xFFFFFFA0];
	s25 =	smov.u32 s23  }
0x9f: {  	v5 =	vld [tilespmem:s24+$0xFFFFFF80]  }
0xa0: {  	v6 =	vld [tilespmem:s24+$0x20]  }
0xa1: {  	v7 =	vld [tilespmem:s24+$0xFFFFFFB0]  }
0xa2: {  	v8 =	vld [tilespmem:s24+$0xFFFFFF90]  }
0xa3: {  	v9 =	vld [tilespmem:s24+$0x0]  }
0xa4: {  	v2 =	vld [tilespmem:s24+$0x30]  }
0xa5: {  	s23 =	sadd.s32 $0x1, s23;
	v3 =	vld [tilespmem:s24+$0x10];
	v10 =	vmax.f32 v4, v6;
	v4 =	vmin.f32 v4, v6  }
0xa6: {  	p0 =	sne.s32 s23, $0x100;
	v4 =	vsub.f32 v4, v10;
	_ =	sdelay $0x1  }
0xa7: {  	v11 =	vmax.f32 v5, v9;
	v5 =	vmin.f32 v5, v9;
	v4 =	vmul.f32 $1.000000000e+02, v4  }
0xa8: {  	v5 =	vsub.f32 v5, v11;
	v12 =	vmax.f32 v7, v2;
	v7 =	vmin.f32 v7, v2  }
0xa9: {  	v13 =	vmax.f32 v8, v3;
	v8 =	vmin.f32 v8, v3;
	v7 =	vsub.f32 v7, v12  }
0xaa: {  	v5 =	vmul.f32 $1.000000000e+02, v5;
	v8 =	vsub.f32 v8, v13  }
0xab: {  	v4 =	vmul.f32 $1.442695020e+00, v4;
	v7 =	vmul.f32 $1.000000000e+02, v7  }
0xac: {  	v5 =	vmul.f32 $1.442695020e+00, v5;
	v8 =	vmul.f32 $1.000000000e+02, v8  }
0xad: {  	v7 =	vmul.f32 $1.442695020e+00, v7;
	(erf) = vpow2.f32 v4  }
0xae: {  	v4 =	vmul.f32 $1.442695020e+00, v8;
	(erf) = vpow2.f32 v5  }
0xaf: {  	(erf) = vpow2.f32 v7  }
0xb0: {  	(erf) = vpow2.f32 v4;
	_ =	sdelay $0x5  }
0xb1: {  	v4 =	vpop (erf)  }
0xb2: {  	v5 =	vmul.f32 $5.617694930e-02, v4;
	v7 =	vpop (erf)  }
0xb3: {  	v8 =	vpop (erf)  }
0xb4: {  	v14 =	vmul.f32 $5.617694930e-02, v7;
	v5 =	vadd.f32 $-1.841776370e-01, v5;
	v15 =	vpop (erf)  }
0xb5: {  	v17 =	vmul.f32 $5.617694930e-02, v8;
	v16 =	vmul.f32 $5.617694930e-02, v15  }
0xb6: {  	v14 =	vadd.f32 $-1.841776370e-01, v14;
	v5 =	vmul.f32 v5, v4  }
0xb7: {  	v17 =	vadd.f32 $-1.841776370e-01, v17;
	v16 =	vadd.f32 $-1.841776370e-01, v16  }
0xb8: {  	v14 =	vmul.f32 v14, v7;
	v5 =	vadd.f32 $3.209889530e-01, v5  }
0xb9: {  	v17 =	vmul.f32 v17, v8;
	v16 =	vmul.f32 v16, v15  }
0xba: {  	v14 =	vadd.f32 $3.209889530e-01, v14;
	v5 =	vmul.f32 v5, v4  }
0xbb: {  	v17 =	vadd.f32 $3.209889530e-01, v17;
	v16 =	vadd.f32 $3.209889530e-01, v16  }
0xbc: {  	v14 =	vmul.f32 v14, v7;
	v5 =	vadd.f32 $-4.994405510e-01, v5  }
0xbd: {  	v17 =	vmul.f32 v17, v8;
	v16 =	vmul.f32 v16, v15  }
0xbe: {  	v14 =	vadd.f32 $-4.994405510e-01, v14;
	v5 =	vmul.f32 v5, v4  }
0xbf: {  	v17 =	vadd.f32 $-4.994405510e-01, v17;
	v16 =	vadd.f32 $-4.994405510e-01, v16  }
0xc0: {  	v14 =	vmul.f32 v14, v7;
	v5 =	vadd.f32 $1.000000000e+00, v5  }
0xc1: {  	v17 =	vmul.f32 v17, v8;
	v16 =	vmul.f32 v16, v15  }
0xc2: {  	v14 =	vadd.f32 $1.000000000e+00, v14;
	v4 =	vmul.f32 v5, v4  }
0xc3: {  	v5 =	vadd.f32 $1.000000000e+00, v16;
	v16 =	vadd.f32 $1.000000000e+00, v17  }
0xc4: {  	v7 =	vmul.f32 v14, v7;
	v4 =	vmul.f32 $9.999999770e-03, v4  }
0xc5: {  	v5 =	vmul.f32 v5, v15;
	v8 =	vmul.f32 v16, v8  }
0xc6: {  	v7 =	vmul.f32 $9.999999770e-03, v7  }
0xc7: {  	v4 =	vadd.f32 v4, v10;
	v5 =	vmul.f32 $9.999999770e-03, v5;
	v8 =	vmul.f32 $9.999999770e-03, v8  }
0xc8: {  	v6 =	vadd.f32 v6, v9;
	v7 =	vadd.f32 v7, v11  }
0xc9: {  	v5 =	vadd.f32 v5, v13;
	v8 =	vadd.f32 v8, v12  }
0xca: {  	v4 =	vadd.f32 v4, v7  }
0xcb: {  	v6 =	vsub.f32 $0.0e+00, v6;
	v5 =	vadd.f32 v8, v5  }
0xcc: {  	v4 =	vsub.f32 $0.0e+00, v4  }
0xcd: {  	v7 =	vxor.u32 $0x80000000, v6;
	v5 =	vsub.f32 $0.0e+00, v5  }
0xce: {  	v2 =	vadd.f32 v2, v3;
	v7 =	vmin.f32 v6, v7;
	v3 =	vxor.u32 $0x80000000, v4  }
0xcf: {  	v7 =	vmul.f32 $1.442695020e+00, v7;
	v3 =	vmin.f32 v4, v3;
	v8 =	vxor.u32 $0x80000000, v5  }
0xd0: {  	v2 =	vsub.f32 $0.0e+00, v2;
	v3 =	vmul.f32 $1.442695020e+00, v3;
	v8 =	vmin.f32 v5, v8  }
0xd1: {  	v8 =	vmul.f32 $1.442695020e+00, v8;
	(erf) = vpow2.f32 v7  }
0xd2: {  	v7 =	vxor.u32 $0x80000000, v2;
	(erf) = vpow2.f32 v3  }
0xd3: {  	v3 =	vmin.f32 v2, v7;
	(erf) = vpow2.f32 v8  }
0xd4: {  	v3 =	vmul.f32 $1.442695020e+00, v3;
	_ =	sdelay $0x1  }
0xd5: {  	(erf) = vpow2.f32 v3;
	_ =	sdelay $0x3  }
0xd6: {  	v3 =	vpop (erf)  }
0xd7: {  	v7 =	vmul.f32 $5.617694930e-02, v3;
	v8 =	vpop (erf)  }
0xd8: {  	v9 =	vmul.f32 $5.617694930e-02, v8;
	v10 =	vpop (erf)  }
0xd9: {  	v11 =	vmul.f32 $5.617694930e-02, v10;
	v7 =	vadd.f32 $-1.841776370e-01, v7  }
0xda: {  	v9 =	vadd.f32 $-1.841776370e-01, v9  }
0xdb: {  	v11 =	vadd.f32 $-1.841776370e-01, v11;
	v7 =	vmul.f32 v7, v3;
	v12 =	vpop (erf)  }
0xdc: {  	v9 =	vmul.f32 v9, v8;
	v13 =	vmul.f32 $5.617694930e-02, v12  }
0xdd: {  	v11 =	vmul.f32 v11, v10;
	v7 =	vadd.f32 $3.209889530e-01, v7  }
0xde: {  	v9 =	vadd.f32 $3.209889530e-01, v9;
	v13 =	vadd.f32 $-1.841776370e-01, v13  }
0xdf: {  	v11 =	vadd.f32 $3.209889530e-01, v11;
	v7 =	vmul.f32 v7, v3  }
0xe0: {  	v9 =	vmul.f32 v9, v8;
	v13 =	vmul.f32 v13, v12  }
0xe1: {  	v11 =	vmul.f32 v11, v10;
	v7 =	vadd.f32 $-4.994405510e-01, v7  }
0xe2: {  	v9 =	vadd.f32 $-4.994405510e-01, v9;
	v13 =	vadd.f32 $3.209889530e-01, v13  }
0xe3: {  	v11 =	vadd.f32 $-4.994405510e-01, v11;
	v7 =	vmul.f32 v7, v3  }
0xe4: {  	v9 =	vmul.f32 v9, v8;
	v13 =	vmul.f32 v13, v12  }
0xe5: {  	v11 =	vmul.f32 v11, v10;
	v7 =	vadd.f32 $1.000000000e+00, v7  }
0xe6: {  	v9 =	vadd.f32 $1.000000000e+00, v9;
	v13 =	vadd.f32 $-4.994405510e-01, v13  }
0xe7: {  	v11 =	vadd.f32 $1.000000000e+00, v11;
	v3 =	vmul.f32 v7, v3  }
0xe8: {  	v6 =	vmax.f32 v6, $0.0e+00;
	v7 =	vmul.f32 v9, v8;
	v8 =	vmul.f32 v13, v12  }
0xe9: {  	v4 =	vmax.f32 v4, $0.0e+00;
	v9 =	vmul.f32 v11, v10;
	v3 =	vadd.f32 v3, v6  }
0xea: {  	v5 =	vmax.f32 v5, $0.0e+00;
	v4 =	vadd.f32 v7, v4;
	v6 =	vadd.f32 $1.000000000e+00, v8  }
0xeb: {  	v5 =	vadd.f32 v9, v5;
	v3 =	vadd.f32 $9.999999990e-24, v3  }
0xec: {  	v4 =	vadd.f32 $9.999999990e-24, v4;
	v6 =	vmul.f32 v6, v12  }
0xed: {  	v2 =	vmax.f32 v2, $0.0e+00;
	v5 =	vadd.f32 $9.999999990e-24, v5;
	v7 =	vand.u32 $0x7FFFFF, v3  }
0xee: {  	v8 =	vand.u32 $0x7FFFFF, v4;
	v7 =	vor.u32 $0x3F800000, v7;
	v2 =	vadd.f32 v6, v2  }
0xef: {  	v6 =	vor.u32 $0x3F800000, v8;
	v8 =	vand.u32 $0x7FFFFF, v5;
	v9 =	vadd.f32 $1.000000000e+00, v7  }
0xf0: {  	v10 =	vadd.f32 $1.000000000e+00, v6;
	v8 =	vor.u32 $0x3F800000, v8;
	v2 =	vadd.f32 $9.999999990e-24, v2  }
0xf1: {  	v11 =	vadd.f32 $1.000000000e+00, v8;
	(erf) = vrcp.f32 v9  }
0xf2: {  	v9 =	vand.u32 $0x7FFFFF, v2;
	(erf) = vrcp.f32 v10  }
0xf3: {  	v9 =	vor.u32 $0x3F800000, v9;
	(erf) = vrcp.f32 v11  }
0xf4: {  	v10 =	vadd.f32 $1.000000000e+00, v9;
	_ =	sdelay $0x1  }
0xf5: {  	(erf) = vrcp.f32 v10;
	_ =	sdelay $0x2  }
0xf6: {  	v7 =	vadd.f32 $-1.000000000e+00, v7  }
0xf7: {  	v6 =	vadd.f32 $-1.000000000e+00, v6;
	v10 =	vpop (erf)  }
0xf8: {  	v8 =	vadd.f32 $-1.000000000e+00, v8;
	v7 =	vmul.f32 v10, v7;
	v10 =	vpop (erf)  }
0xf9: {  	v6 =	vmul.f32 v10, v6;
	v10 =	vpop (erf)  }
0xfa: {  	v8 =	vmul.f32 v10, v8;
	v10 =	vmul.f32 v7, v7  }
0xfb: {  	v9 =	vadd.f32 $-1.000000000e+00, v9;
	v11 =	vmul.f32 v6, v6  }
0xfc: {  	v12 =	vmul.f32 v8, v8;
	v13 =	vmul.f32 $2.857142980e-01, v10;
	v14 =	vpop (erf)  }
0xfd: {  	v15 =	vmul.f32 $2.857142980e-01, v11;
	v9 =	vmul.f32 v14, v9  }
0xfe: {  	v3 =	vshra.s32 v3, $0x17;
	v14 =	vmul.f32 $2.857142980e-01, v12;
	v13 =	vadd.f32 $4.000000060e-01, v13  }
0xff: {  	v3 =	vadd.s32 $0xFFFFFF81, v3;
	v15 =	vadd.f32 $4.000000060e-01, v15;
	v16 =	vmul.f32 v9, v9  }
0x100: {  	v3 =	vcvt.s32.f32 v3;
	v14 =	vadd.f32 $4.000000060e-01, v14;
	v13 =	vmul.f32 v13, v10  }
0x101: {  	v15 =	vmul.f32 v15, v11;
	v17 =	vmul.f32 $2.857142980e-01, v16  }
0x102: {  	v14 =	vmul.f32 v14, v12;
	v13 =	vadd.f32 $6.666666860e-01, v13  }
0x103: {  	v3 =	vmul.f32 $6.931471820e-01, v3;
	v15 =	vadd.f32 $6.666666860e-01, v15;
	v17 =	vadd.f32 $4.000000060e-01, v17  }
0x104: {  	v4 =	vshra.s32 v4, $0x17;
	v14 =	vadd.f32 $6.666666860e-01, v14;
	v10 =	vmul.f32 v13, v10  }
0x105: {  	v4 =	vadd.s32 $0xFFFFFF81, v4;
	v11 =	vmul.f32 v15, v11;
	v13 =	vmul.f32 v17, v16  }
0x106: {  	v5 =	vshra.s32 v5, $0x17;
	v4 =	vcvt.s32.f32 v4;
	v12 =	vmul.f32 v14, v12  }
0x107: {  	v5 =	vadd.s32 $0xFFFFFF81, v5;
	v11 =	vadd.f32 $2.000000000e+00, v11;
	v13 =	vadd.f32 $6.666666860e-01, v13  }
0x108: {  	v5 =	vcvt.s32.f32 v5;
	v4 =	vmul.f32 $6.931471820e-01, v4;
	v12 =	vadd.f32 $2.000000000e+00, v12  }
0x109: {  	v10 =	vadd.f32 $2.000000000e+00, v10;
	v6 =	vmul.f32 v11, v6;
	v11 =	vmul.f32 v13, v16  }
0x10a: {  	v2 =	vshra.s32 v2, $0x17;
	v5 =	vmul.f32 $6.931471820e-01, v5;
	v8 =	vmul.f32 v12, v8  }
0x10b: {  	v2 =	vadd.s32 $0xFFFFFF81, v2;
	v4 =	vadd.f32 v6, v4;
	v6 =	vmul.f32 v10, v7  }
0x10c: {  	v2 =	vcvt.s32.f32 v2;
	v7 =	vadd.f32 $2.000000000e+00, v11;
	v5 =	vadd.f32 v8, v5  }
0x10d: {  	v3 =	vadd.f32 v6, v3  }
0x10e: {  	v2 =	vmul.f32 $6.931471820e-01, v2;
	v4 =	vadd.f32 v5, v4;
	v5 =	vmul.f32 v7, v9;
	_ =	sdelay $0x1  }
0x10f: {  	v3 =	vsub.f32 v4, v3;
	v2 =	vadd.f32 v5, v2;
	_ =	sdelay $0x1  }
0x110: {  	v2 =	vsub.f32 v3, v2;
	_ =	sdelay $0x1  }
0x111: {  	(xrf2) =	vadd.scan.msk.f32 $0xffff, v2;
	_ =	sdelay $0x9  }
.Ltmp0:
0x112: {  	s25 =	sand.u32 $0xF, s25;
	v2, _, _ =	vpop (xrf2);
	(pc) =	sbr.rel @p0 .LBB2_2-.Ltmp0, $4  }
0x113: {  	v3 =	vmov s25;
	v2 =	vbroadcast v2, $0xF  }
0x114: {  	vm0 =	veq.s32 v3, v0  }
0x115: {  	s22 =	sadd.s32 $0x1, s22;
	p1 =	sne.s32 s25, $0xF;
	v1 =	vsel vm0, v2, v1  }
0x116: {  	s24 =	sadd.s32 $0x100, s24;
	[tilespmem:s22+$0x0] =	vst @!p1 v1  }
0x117: {  	[tilespmem:s9], [sflag:$0x1] =	stream.indirect.gather [hbm4b:s3+s8], $0x80, s16, s8, $0xb8;
	[tilespmem:$0x10600] =	vst v63  }
0x118: {  	_ = 	snop  }
0x119: {  	[tilespmem:s10], [sflag:$0x1] =	stream.indirect.gather [hbm4b:s3+s8], $0x80, s17, s8, $0xb8;
	[tilespmem:$0x10600] =	vst v63  }
0x11a: {  	_ = 	snop  }
0x11b: {  	[tilespmem:s12], [sflag:$0x1] =	stream.indirect.gather [hbm4b:s3+s8], $0x80, s18, s8, $0xb8;
	[tilespmem:$0x10600] =	vst v63  }
0x11c: {  	_ = 	snop  }
0x11d: {  	[tilespmem:s14], [sflag:$0x1] =	stream.indirect.gather [hbm4b:s3+s8], $0x80, s19, s8, $0xb8;
	[tilespmem:$0x10600] =	vst v63  }
0x11e: {  	_ =	swait.ge [sflag:s15], $0x4000  }
0x11f: {  	[sflag:s15] =	ssyncset.done $0x0  }
0x120: {  	[sflag:s15] =	ssyncadd.s32 $0xFFFFC000  }
0x121: {  	_ =	swait.ge [sflag:s15], $0x4000  }
0x122: {  	[sflag:s15] =	ssyncset.done $0x0  }
0x123: {  	[sflag:s15] =	ssyncadd.s32 $0xFFFFC000  }
0x124: {  	_ =	swait.ge [sflag:s15], $0x4000  }
0x125: {  	[sflag:s15] =	ssyncset.done $0x0  }
0x126: {  	[sflag:s15] =	ssyncadd.s32 $0xFFFFC000  }
0x127: {  	_ =	swait.ge [sflag:s15], $0x4000  }
0x128: {  	[sflag:s15] =	ssyncset.done $0x0  }
0x129: {  	s22 =	simm.s32 $0x480;
	[sflag:s15] =	ssyncadd.s32 $0xFFFFC000  }
0x12a: {  	v1 =	vld [tilespmem:s22+$0xFFFFFFA0]  }
0x12b: {  	v2 =	vld [tilespmem:s22+$0xFFFFFF80]  }
0x12c: {  	v3 =	vld [tilespmem:s22+$0x20]  }
0x12d: {  	v4 =	vld [tilespmem:s22+$0xFFFFFFB0]  }
0x12e: {  	v5 =	vld [tilespmem:s22+$0xFFFFFF90]  }
0x12f: {  	v6 =	vld [tilespmem:s22+$0x0]  }
0x130: {  	v7 =	vld [tilespmem:s22+$0x30]  }
0x131: {  	v8 =	vld [tilespmem:s22+$0x10];
	_ =	sdelay $0x2  }
0x132: {  	v9 =	vmax.f32 v1, v3;
	v1 =	vmin.f32 v1, v3;
	v10 =	vmax.f32 v2, v6  }
0x133: {  	v2 =	vmin.f32 v2, v6;
	v11 =	vmax.f32 v4, v7;
	v1 =	vsub.f32 v1, v9  }
0x134: {  	v4 =	vmin.f32 v4, v7;
	v12 =	vmax.f32 v5, v8;
	v2 =	vsub.f32 v2, v10  }
0x135: {  	v5 =	vmin.f32 v5, v8;
	v4 =	vsub.f32 v4, v11;
	v1 =	vmul.f32 $1.000000000e+02, v1  }
0x136: {  	v5 =	vsub.f32 v5, v12;
	v2 =	vmul.f32 $1.000000000e+02, v2  }
0x137: {  	v4 =	vmul.f32 $1.000000000e+02, v4;
	v1 =	vmul.f32 $1.442695020e+00, v1  }
0x138: {  	v5 =	vmul.f32 $1.000000000e+02, v5;
	v2 =	vmul.f32 $1.442695020e+00, v2  }
0x139: {  	v4 =	vmul.f32 $1.442695020e+00, v4;
	(erf) = vpow2.f32 v1  }
0x13a: {  	v1 =	vmul.f32 $1.442695020e+00, v5;
	(erf) = vpow2.f32 v2  }
0x13b: {  	(erf) = vpow2.f32 v4  }
0x13c: {  	(erf) = vpow2.f32 v1;
	_ =	sdelay $0x5  }
0x13d: {  	v1 =	vpop (erf)  }
0x13e: {  	v62 =	vpop (erf)  }
0x13f: {  	v2 =	vmul.f32 $5.617694930e-02, v1;
	v63 =	vpop (erf)  }
0x140: {  	v13 =	vmul.f32 $5.617694930e-02, v62;
	v14 =	vpop (erf)  }
0x141: {  	v2 =	vadd.f32 $-1.841776370e-01, v2;
	v16 =	vmul.f32 $5.617694930e-02, v63;
	v15 =	vmul.f32 $5.617694930e-02, v14  }
0x142: {  	v13 =	vadd.f32 $-1.841776370e-01, v13  }
0x143: {  	v2 =	vmul.f32 v2, v1;
	v16 =	vadd.f32 $-1.841776370e-01, v16;
	v15 =	vadd.f32 $-1.841776370e-01, v15  }
0x144: {  	v13 =	vmul.f32 v13, v62  }
0x145: {  	v2 =	vadd.f32 $3.209889530e-01, v2;
	v16 =	vmul.f32 v16, v63;
	v15 =	vmul.f32 v15, v14  }
0x146: {  	v13 =	vadd.f32 $3.209889530e-01, v13  }
0x147: {  	v2 =	vmul.f32 v2, v1;
	v16 =	vadd.f32 $3.209889530e-01, v16;
	v15 =	vadd.f32 $3.209889530e-01, v15  }
0x148: {  	v13 =	vmul.f32 v13, v62  }
0x149: {  	v2 =	vadd.f32 $-4.994405510e-01, v2;
	v16 =	vmul.f32 v16, v63;
	v15 =	vmul.f32 v15, v14  }
0x14a: {  	v13 =	vadd.f32 $-4.994405510e-01, v13  }
0x14b: {  	v2 =	vmul.f32 v2, v1;
	v16 =	vadd.f32 $-4.994405510e-01, v16;
	v15 =	vadd.f32 $-4.994405510e-01, v15  }
0x14c: {  	v13 =	vmul.f32 v13, v62  }
0x14d: {  	v2 =	vadd.f32 $1.000000000e+00, v2;
	v16 =	vmul.f32 v16, v63;
	v15 =	vmul.f32 v15, v14  }
0x14e: {  	v13 =	vadd.f32 $1.000000000e+00, v13  }
0x14f: {  	v1 =	vmul.f32 v2, v1;
	v20 =	vadd.f32 $1.000000000e+00, v16;
	v2 =	vadd.f32 $1.000000000e+00, v15  }
0x150: {  	v4 =	vmul.f32 v13, v62  }
0x151: {  	v5 =	vmul.f32 v20, v63;
	v2 =	vmul.f32 v2, v14  }
0x152: {  	v1 =	vmul.f32 $9.999999770e-03, v1;
	v4 =	vmul.f32 $9.999999770e-03, v4  }
0x153: {  	v3 =	vadd.f32 v3, v6;
	v5 =	vmul.f32 $9.999999770e-03, v5;
	v2 =	vmul.f32 $9.999999770e-03, v2  }
0x154: {  	v1 =	vadd.f32 v1, v9;
	v4 =	vadd.f32 v4, v10  }
0x155: {  	v5 =	vadd.f32 v5, v11;
	v2 =	vadd.f32 v2, v12  }
0x156: {  	v1 =	vadd.f32 v1, v4  }
0x157: {  	v3 =	vsub.f32 $0.0e+00, v3;
	v2 =	vadd.f32 v5, v2  }
0x158: {  	v1 =	vsub.f32 $0.0e+00, v1  }
0x159: {  	v21 =	vxor.u32 $0x80000000, v3;
	v2 =	vsub.f32 $0.0e+00, v2  }
0x15a: {  	v22 =	vadd.f32 v7, v8;
	v4 =	vmin.f32 v3, v21;
	v23 =	vxor.u32 $0x80000000, v1  }
0x15b: {  	v4 =	vmul.f32 $1.442695020e+00, v4;
	v6 =	vmin.f32 v1, v23;
	v24 =	vxor.u32 $0x80000000, v2  }
0x15c: {  	v5 =	vsub.f32 $0.0e+00, v22;
	v6 =	vmul.f32 $1.442695020e+00, v6;
	v7 =	vmin.f32 v2, v24  }
0x15d: {  	(erf) = vpow2.f32 v4;
	v7 =	vmul.f32 $1.442695020e+00, v7  }
0x15e: {  	v25 =	vxor.u32 $0x80000000, v5;
	(erf) = vpow2.f32 v6  }
0x15f: {  	v4 =	vmin.f32 v5, v25;
	(erf) = vpow2.f32 v7  }
0x160: {  	v4 =	vmul.f32 $1.442695020e+00, v4;
	_ =	sdelay $0x1  }
0x161: {  	(erf) = vpow2.f32 v4;
	_ =	sdelay $0x3  }
0x162: {  	v26 =	vpop (erf)  }
0x163: {  	v27 =	vmul.f32 $5.617694930e-02, v26;
	v28 =	vpop (erf)  }
0x164: {  	v29 =	vmul.f32 $5.617694930e-02, v28;
	v30 =	vpop (erf)  }
0x165: {  	v6 =	vadd.f32 $-1.841776370e-01, v27;
	v31 =	vmul.f32 $5.617694930e-02, v30  }
0x166: {  	v8 =	vadd.f32 $-1.841776370e-01, v29  }
0x167: {  	v6 =	vmul.f32 v6, v26;
	v32 =	vpop (erf);
	v10 =	vadd.f32 $-1.841776370e-01, v31  }
0x168: {  	v33 =	vmul.f32 $5.617694930e-02, v32;
	v8 =	vmul.f32 v8, v28  }
0x169: {  	v6 =	vadd.f32 $3.209889530e-01, v6;
	v10 =	vmul.f32 v10, v30  }
0x16a: {  	v12 =	vadd.f32 $-1.841776370e-01, v33;
	v8 =	vadd.f32 $3.209889530e-01, v8  }
0x16b: {  	v6 =	vmul.f32 v6, v26;
	v10 =	vadd.f32 $3.209889530e-01, v10  }
0x16c: {  	v12 =	vmul.f32 v12, v32;
	v8 =	vmul.f32 v8, v28  }
0x16d: {  	v6 =	vadd.f32 $-4.994405510e-01, v6;
	v10 =	vmul.f32 v10, v30  }
0x16e: {  	v12 =	vadd.f32 $3.209889530e-01, v12;
	v8 =	vadd.f32 $-4.994405510e-01, v8  }
0x16f: {  	v6 =	vmul.f32 v6, v26;
	v10 =	vadd.f32 $-4.994405510e-01, v10  }
0x170: {  	v12 =	vmul.f32 v12, v32;
	v8 =	vmul.f32 v8, v28  }
0x171: {  	v6 =	vadd.f32 $1.000000000e+00, v6;
	v10 =	vmul.f32 v10, v30  }
0x172: {  	v12 =	vadd.f32 $-4.994405510e-01, v12;
	v8 =	vadd.f32 $1.000000000e+00, v8  }
0x173: {  	v4 =	vmul.f32 v6, v26;
	v10 =	vadd.f32 $1.000000000e+00, v10  }
0x174: {  	v3 =	vmax.f32 v3, $0.0e+00;
	v35 =	vmul.f32 v12, v32;
	v34 =	vmul.f32 v8, v28  }
0x175: {  	v1 =	vmax.f32 v1, $0.0e+00;
	v3 =	vadd.f32 v4, v3;
	v36 =	vmul.f32 v10, v30  }
0x176: {  	v2 =	vmax.f32 v2, $0.0e+00;
	v37 =	vadd.f32 $1.000000000e+00, v35;
	v1 =	vadd.f32 v34, v1  }
0x177: {  	v3 =	vadd.f32 $9.999999990e-24, v3;
	v2 =	vadd.f32 v36, v2  }
0x178: {  	v4 =	vmul.f32 v37, v32;
	v1 =	vadd.f32 $9.999999990e-24, v1  }
0x179: {  	v5 =	vmax.f32 v5, $0.0e+00;
	v38 =	vand.u32 $0x7FFFFF, v3;
	v2 =	vadd.f32 $9.999999990e-24, v2  }
0x17a: {  	v6 =	vor.u32 $0x3F800000, v38;
	v4 =	vadd.f32 v4, v5;
	v39 =	vand.u32 $0x7FFFFF, v1  }
0x17b: {  	v42 =	vadd.f32 $1.000000000e+00, v6;
	v40 =	vor.u32 $0x3F800000, v39;
	v41 =	vand.u32 $0x7FFFFF, v2  }
0x17c: {  	v4 =	vadd.f32 $9.999999990e-24, v4;
	v43 =	vadd.f32 $1.000000000e+00, v40;
	v7 =	vor.u32 $0x3F800000, v41  }
0x17d: {  	(erf) = vrcp.f32 v42;
	v44 =	vadd.f32 $1.000000000e+00, v7  }
0x17e: {  	v45 =	vand.u32 $0x7FFFFF, v4;
	(erf) = vrcp.f32 v43  }
0x17f: {  	v8 =	vor.u32 $0x3F800000, v45;
	(erf) = vrcp.f32 v44  }
0x180: {  	v46 =	vadd.f32 $1.000000000e+00, v8;
	_ =	sdelay $0x1  }
0x181: {  	(erf) = vrcp.f32 v46;
	_ =	sdelay $0x3  }
0x182: {  	v47 =	vpop (erf)  }
0x183: {  	v5 =	vadd.f32 $-1.000000000e+00, v40;
	v7 =	vadd.f32 $-1.000000000e+00, v7;
	v48 =	vpop (erf)  }
0x184: {  	v3 =	vshra.s32 v3, $0x17;
	v6 =	vadd.f32 $-1.000000000e+00, v6;
	v49 =	vpop (erf)  }
0x185: {  	v3 =	vadd.s32 $0xFFFFFF81, v3;
	v5 =	vmul.f32 v48, v5;
	v7 =	vmul.f32 v49, v7  }
0x186: {  	v3 =	vcvt.s32.f32 v3;
	v8 =	vadd.f32 $-1.000000000e+00, v8;
	v6 =	vmul.f32 v47, v6  }
0x187: {  	v51 =	vmul.f32 v5, v5;
	v54 =	vpop (erf);
	v52 =	vmul.f32 v7, v7  }
0x188: {  	v50 =	vmul.f32 v6, v6;
	v8 =	vmul.f32 v54, v8  }
0x189: {  	v55 =	vmul.f32 $2.857142980e-01, v51;
	v56 =	vmul.f32 $2.857142980e-01, v52  }
0x18a: {  	v53 =	vmul.f32 $2.857142980e-01, v50;
	v57 =	vmul.f32 v8, v8  }
0x18b: {  	v14 =	vadd.f32 $4.000000060e-01, v55;
	v13 =	vadd.f32 $4.000000060e-01, v56  }
0x18c: {  	v3 =	vmul.f32 $6.931471820e-01, v3;
	v12 =	vadd.f32 $4.000000060e-01, v53;
	v58 =	vmul.f32 $2.857142980e-01, v57  }
0x18d: {  	v1 =	vshra.s32 v1, $0x17;
	v14 =	vmul.f32 v14, v51;
	v13 =	vmul.f32 v13, v52  }
0x18e: {  	v1 =	vadd.s32 $0xFFFFFF81, v1;
	v12 =	vmul.f32 v12, v50;
	v16 =	vadd.f32 $4.000000060e-01, v58  }
0x18f: {  	v1 =	vcvt.s32.f32 v1;
	v14 =	vadd.f32 $6.666666860e-01, v14;
	v13 =	vadd.f32 $6.666666860e-01, v13  }
0x190: {  	v2 =	vshra.s32 v2, $0x17;
	v12 =	vadd.f32 $6.666666860e-01, v12;
	v59 =	vmul.f32 v16, v57  }
0x191: {  	v2 =	vadd.s32 $0xFFFFFF81, v2;
	v10 =	vmul.f32 v14, v51;
	v11 =	vmul.f32 v13, v52  }
0x192: {  	v2 =	vcvt.s32.f32 v2;
	v9 =	vmul.f32 v12, v50;
	v12 =	vadd.f32 $6.666666860e-01, v59  }
0x193: {  	v1 =	vmul.f32 $6.931471820e-01, v1;
	v10 =	vadd.f32 $2.000000000e+00, v10;
	v11 =	vadd.f32 $2.000000000e+00, v11  }
0x194: {  	v2 =	vmul.f32 $6.931471820e-01, v2;
	v9 =	vadd.f32 $2.000000000e+00, v9;
	v60 =	vmul.f32 v12, v57  }
0x195: {  	v4 =	vshra.s32 v4, $0x17;
	v5 =	vmul.f32 v10, v5;
	v7 =	vmul.f32 v11, v7  }
0x196: {  	v4 =	vadd.s32 $0xFFFFFF81, v4;
	v61 =	vmul.f32 v9, v6;
	v62 =	vadd.f32 $2.000000000e+00, v60  }
0x197: {  	v4 =	vcvt.s32.f32 v4;
	v1 =	vadd.f32 v5, v1;
	v2 =	vadd.f32 v7, v2  }
0x198: {  	v3 =	vadd.f32 v61, v3  }
0x199: {  	v63 =	vmul.f32 v62, v8;
	v1 =	vadd.f32 v2, v1;
	v2 =	vmul.f32 $6.931471820e-01, v4;
	_ =	sdelay $0x1  }
0x19a: {  	v1 =	vsub.f32 v1, v3;
	v2 =	vadd.f32 v63, v2;
	_ =	sdelay $0x1  }
0x19b: {  	v1 =	vsub.f32 v1, v2;
	_ =	sdelay $0x1  }
0x19c: {  	(xrf2) =	vadd.scan.msk.f32 $0xffff, v1;
	_ =	sdelay $0x8  }
0x19d: {  	s31 =	simm.s32 $0x0  }
0x19e: {  	s23 =	sand.u32 $0xF, s31;
	v1, _, _ =	vpop (xrf2)  }
0x19f: {  	v2 =	vmov s23;
	v1 =	vbroadcast v1, $0xF  }
0x1a0: {  	v3 =	vimm.f32 $0.0e+00;
	vm0 =	veq.s32 v2, v0  }
0x1a1: {  	p0 =	sne.s32 s23, $0xF;
	s22 =	simm.s32 $0x104F1;
	v1 =	vsel vm0, v1, v3  }
0x1a2: {  	s24 =	simm.s32 $0x580;
	s23 =	simm.s32 $0x1;
	[tilespmem:s22+$0x0] =	vst @!p0 v1  }
.LBB2_4:
0x1a3: {  	v4 =	vld [tilespmem:s24+$0xFFFFFFA0];
	s25 =	smov.u32 s23  }
0x1a4: {  	v5 =	vld [tilespmem:s24+$0xFFFFFF80]  }
0x1a5: {  	v6 =	vld [tilespmem:s24+$0x20]  }
0x1a6: {  	v7 =	vld [tilespmem:s24+$0xFFFFFFB0]  }
0x1a7: {  	v8 =	vld [tilespmem:s24+$0xFFFFFF90]  }
0x1a8: {  	v9 =	vld [tilespmem:s24+$0x0]  }
0x1a9: {  	v2 =	vld [tilespmem:s24+$0x30]  }
0x1aa: {  	s23 =	sadd.s32 $0x1, s23;
	v3 =	vld [tilespmem:s24+$0x10];
	v10 =	vmax.f32 v4, v6;
	v4 =	vmin.f32 v4, v6  }
0x1ab: {  	p0 =	sne.s32 s23, $0x100;
	v4 =	vsub.f32 v4, v10;
	_ =	sdelay $0x1  }
0x1ac: {  	v11 =	vmax.f32 v5, v9;
	v5 =	vmin.f32 v5, v9;
	v4 =	vmul.f32 $1.000000000e+02, v4  }
0x1ad: {  	v5 =	vsub.f32 v5, v11;
	v12 =	vmax.f32 v7, v2;
	v7 =	vmin.f32 v7, v2  }
0x1ae: {  	v13 =	vmax.f32 v8, v3;
	v8 =	vmin.f32 v8, v3;
	v7 =	vsub.f32 v7, v12  }
0x1af: {  	v5 =	vmul.f32 $1.000000000e+02, v5;
	v8 =	vsub.f32 v8, v13  }
0x1b0: {  	v4 =	vmul.f32 $1.442695020e+00, v4;
	v7 =	vmul.f32 $1.000000000e+02, v7  }
0x1b1: {  	v5 =	vmul.f32 $1.442695020e+00, v5;
	v8 =	vmul.f32 $1.000000000e+02, v8  }
0x1b2: {  	v7 =	vmul.f32 $1.442695020e+00, v7;
	(erf) = vpow2.f32 v4  }
0x1b3: {  	v4 =	vmul.f32 $1.442695020e+00, v8;
	(erf) = vpow2.f32 v5  }
0x1b4: {  	(erf) = vpow2.f32 v7  }
0x1b5: {  	(erf) = vpow2.f32 v4;
	_ =	sdelay $0x5  }
0x1b6: {  	v4 =	vpop (erf)  }
0x1b7: {  	v5 =	vmul.f32 $5.617694930e-02, v4;
	v7 =	vpop (erf)  }
0x1b8: {  	v8 =	vpop (erf)  }
0x1b9: {  	v14 =	vmul.f32 $5.617694930e-02, v7;
	v5 =	vadd.f32 $-1.841776370e-01, v5;
	v15 =	vpop (erf)  }
0x1ba: {  	v17 =	vmul.f32 $5.617694930e-02, v8;
	v16 =	vmul.f32 $5.617694930e-02, v15  }
0x1bb: {  	v14 =	vadd.f32 $-1.841776370e-01, v14;
	v5 =	vmul.f32 v5, v4  }
0x1bc: {  	v17 =	vadd.f32 $-1.841776370e-01, v17;
	v16 =	vadd.f32 $-1.841776370e-01, v16  }
0x1bd: {  	v14 =	vmul.f32 v14, v7;
	v5 =	vadd.f32 $3.209889530e-01, v5  }
0x1be: {  	v17 =	vmul.f32 v17, v8;
	v16 =	vmul.f32 v16, v15  }
0x1bf: {  	v14 =	vadd.f32 $3.209889530e-01, v14;
	v5 =	vmul.f32 v5, v4  }
0x1c0: {  	v17 =	vadd.f32 $3.209889530e-01, v17;
	v16 =	vadd.f32 $3.209889530e-01, v16  }
0x1c1: {  	v14 =	vmul.f32 v14, v7;
	v5 =	vadd.f32 $-4.994405510e-01, v5  }
0x1c2: {  	v17 =	vmul.f32 v17, v8;
	v16 =	vmul.f32 v16, v15  }
0x1c3: {  	v14 =	vadd.f32 $-4.994405510e-01, v14;
	v5 =	vmul.f32 v5, v4  }
0x1c4: {  	v17 =	vadd.f32 $-4.994405510e-01, v17;
	v16 =	vadd.f32 $-4.994405510e-01, v16  }
0x1c5: {  	v14 =	vmul.f32 v14, v7;
	v5 =	vadd.f32 $1.000000000e+00, v5  }
0x1c6: {  	v17 =	vmul.f32 v17, v8;
	v16 =	vmul.f32 v16, v15  }
0x1c7: {  	v14 =	vadd.f32 $1.000000000e+00, v14;
	v4 =	vmul.f32 v5, v4  }
0x1c8: {  	v5 =	vadd.f32 $1.000000000e+00, v16;
	v16 =	vadd.f32 $1.000000000e+00, v17  }
0x1c9: {  	v7 =	vmul.f32 v14, v7;
	v4 =	vmul.f32 $9.999999770e-03, v4  }
0x1ca: {  	v5 =	vmul.f32 v5, v15;
	v8 =	vmul.f32 v16, v8  }
0x1cb: {  	v7 =	vmul.f32 $9.999999770e-03, v7  }
0x1cc: {  	v4 =	vadd.f32 v4, v10;
	v5 =	vmul.f32 $9.999999770e-03, v5;
	v8 =	vmul.f32 $9.999999770e-03, v8  }
0x1cd: {  	v6 =	vadd.f32 v6, v9;
	v7 =	vadd.f32 v7, v11  }
0x1ce: {  	v5 =	vadd.f32 v5, v13;
	v8 =	vadd.f32 v8, v12  }
0x1cf: {  	v4 =	vadd.f32 v4, v7  }
0x1d0: {  	v6 =	vsub.f32 $0.0e+00, v6;
	v5 =	vadd.f32 v8, v5  }
0x1d1: {  	v4 =	vsub.f32 $0.0e+00, v4  }
0x1d2: {  	v7 =	vxor.u32 $0x80000000, v6;
	v5 =	vsub.f32 $0.0e+00, v5  }
0x1d3: {  	v2 =	vadd.f32 v2, v3;
	v7 =	vmin.f32 v6, v7;
	v3 =	vxor.u32 $0x80000000, v4  }
0x1d4: {  	v7 =	vmul.f32 $1.442695020e+00, v7;
	v3 =	vmin.f32 v4, v3;
	v8 =	vxor.u32 $0x80000000, v5  }
0x1d5: {  	v2 =	vsub.f32 $0.0e+00, v2;
	v3 =	vmul.f32 $1.442695020e+00, v3;
	v8 =	vmin.f32 v5, v8  }
0x1d6: {  	v8 =	vmul.f32 $1.442695020e+00, v8;
	(erf) = vpow2.f32 v7  }
0x1d7: {  	v7 =	vxor.u32 $0x80000000, v2;
	(erf) = vpow2.f32 v3  }
0x1d8: {  	v3 =	vmin.f32 v2, v7;
	(erf) = vpow2.f32 v8  }
0x1d9: {  	v3 =	vmul.f32 $1.442695020e+00, v3;
	_ =	sdelay $0x1  }
0x1da: {  	(erf) = vpow2.f32 v3;
	_ =	sdelay $0x3  }
0x1db: {  	v3 =	vpop (erf)  }
0x1dc: {  	v7 =	vmul.f32 $5.617694930e-02, v3;
	v8 =	vpop (erf)  }
0x1dd: {  	v9 =	vmul.f32 $5.617694930e-02, v8;
	v10 =	vpop (erf)  }
0x1de: {  	v11 =	vmul.f32 $5.617694930e-02, v10;
	v7 =	vadd.f32 $-1.841776370e-01, v7  }
0x1df: {  	v9 =	vadd.f32 $-1.841776370e-01, v9  }
0x1e0: {  	v11 =	vadd.f32 $-1.841776370e-01, v11;
	v7 =	vmul.f32 v7, v3;
	v12 =	vpop (erf)  }
0x1e1: {  	v9 =	vmul.f32 v9, v8;
	v13 =	vmul.f32 $5.617694930e-02, v12  }
0x1e2: {  	v11 =	vmul.f32 v11, v10;
	v7 =	vadd.f32 $3.209889530e-01, v7  }
0x1e3: {  	v9 =	vadd.f32 $3.209889530e-01, v9;
	v13 =	vadd.f32 $-1.841776370e-01, v13  }
0x1e4: {  	v11 =	vadd.f32 $3.209889530e-01, v11;
	v7 =	vmul.f32 v7, v3  }
0x1e5: {  	v9 =	vmul.f32 v9, v8;
	v13 =	vmul.f32 v13, v12  }
0x1e6: {  	v11 =	vmul.f32 v11, v10;
	v7 =	vadd.f32 $-4.994405510e-01, v7  }
0x1e7: {  	v9 =	vadd.f32 $-4.994405510e-01, v9;
	v13 =	vadd.f32 $3.209889530e-01, v13  }
0x1e8: {  	v11 =	vadd.f32 $-4.994405510e-01, v11;
	v7 =	vmul.f32 v7, v3  }
0x1e9: {  	v9 =	vmul.f32 v9, v8;
	v13 =	vmul.f32 v13, v12  }
0x1ea: {  	v11 =	vmul.f32 v11, v10;
	v7 =	vadd.f32 $1.000000000e+00, v7  }
0x1eb: {  	v9 =	vadd.f32 $1.000000000e+00, v9;
	v13 =	vadd.f32 $-4.994405510e-01, v13  }
0x1ec: {  	v11 =	vadd.f32 $1.000000000e+00, v11;
	v3 =	vmul.f32 v7, v3  }
0x1ed: {  	v6 =	vmax.f32 v6, $0.0e+00;
	v7 =	vmul.f32 v9, v8;
	v8 =	vmul.f32 v13, v12  }
0x1ee: {  	v4 =	vmax.f32 v4, $0.0e+00;
	v9 =	vmul.f32 v11, v10;
	v3 =	vadd.f32 v3, v6  }
0x1ef: {  	v5 =	vmax.f32 v5, $0.0e+00;
	v4 =	vadd.f32 v7, v4;
	v6 =	vadd.f32 $1.000000000e+00, v8  }
0x1f0: {  	v5 =	vadd.f32 v9, v5;
	v3 =	vadd.f32 $9.999999990e-24, v3  }
0x1f1: {  	v4 =	vadd.f32 $9.999999990e-24, v4;
	v6 =	vmul.f32 v6, v12  }
0x1f2: {  	v2 =	vmax.f32 v2, $0.0e+00;
	v5 =	vadd.f32 $9.999999990e-24, v5;
	v7 =	vand.u32 $0x7FFFFF, v3  }
0x1f3: {  	v8 =	vand.u32 $0x7FFFFF, v4;
	v7 =	vor.u32 $0x3F800000, v7;
	v2 =	vadd.f32 v6, v2  }
0x1f4: {  	v6 =	vor.u32 $0x3F800000, v8;
	v8 =	vand.u32 $0x7FFFFF, v5;
	v9 =	vadd.f32 $1.000000000e+00, v7  }
0x1f5: {  	v10 =	vadd.f32 $1.000000000e+00, v6;
	v8 =	vor.u32 $0x3F800000, v8;
	v2 =	vadd.f32 $9.999999990e-24, v2  }
0x1f6: {  	v11 =	vadd.f32 $1.000000000e+00, v8;
	(erf) = vrcp.f32 v9  }
0x1f7: {  	v9 =	vand.u32 $0x7FFFFF, v2;
	(erf) = vrcp.f32 v10  }
0x1f8: {  	v9 =	vor.u32 $0x3F800000, v9;
	(erf) = vrcp.f32 v11  }
0x1f9: {  	v10 =	vadd.f32 $1.000000000e+00, v9;
	_ =	sdelay $0x1  }
0x1fa: {  	(erf) = vrcp.f32 v10;
	_ =	sdelay $0x2  }
0x1fb: {  	v7 =	vadd.f32 $-1.000000000e+00, v7  }
0x1fc: {  	v6 =	vadd.f32 $-1.000000000e+00, v6;
	v10 =	vpop (erf)  }
0x1fd: {  	v8 =	vadd.f32 $-1.000000000e+00, v8;
	v7 =	vmul.f32 v10, v7;
	v10 =	vpop (erf)  }
0x1fe: {  	v6 =	vmul.f32 v10, v6;
	v10 =	vpop (erf)  }
0x1ff: {  	v8 =	vmul.f32 v10, v8;
	v10 =	vmul.f32 v7, v7  }
0x200: {  	v9 =	vadd.f32 $-1.000000000e+00, v9;
	v11 =	vmul.f32 v6, v6  }
0x201: {  	v12 =	vmul.f32 v8, v8;
	v13 =	vmul.f32 $2.857142980e-01, v10;
	v14 =	vpop (erf)  }
0x202: {  	v15 =	vmul.f32 $2.857142980e-01, v11;
	v9 =	vmul.f32 v14, v9  }
0x203: {  	v3 =	vshra.s32 v3, $0x17;
	v14 =	vmul.f32 $2.857142980e-01, v12;
	v13 =	vadd.f32 $4.000000060e-01, v13  }
0x204: {  	v3 =	vadd.s32 $0xFFFFFF81, v3;
	v15 =	vadd.f32 $4.000000060e-01, v15;
	v16 =	vmul.f32 v9, v9  }
0x205: {  	v3 =	vcvt.s32.f32 v3;
	v14 =	vadd.f32 $4.000000060e-01, v14;
	v13 =	vmul.f32 v13, v10  }
0x206: {  	v15 =	vmul.f32 v15, v11;
	v17 =	vmul.f32 $2.857142980e-01, v16  }
0x207: {  	v14 =	vmul.f32 v14, v12;
	v13 =	vadd.f32 $6.666666860e-01, v13  }
0x208: {  	v3 =	vmul.f32 $6.931471820e-01, v3;
	v15 =	vadd.f32 $6.666666860e-01, v15;
	v17 =	vadd.f32 $4.000000060e-01, v17  }
0x209: {  	v4 =	vshra.s32 v4, $0x17;
	v14 =	vadd.f32 $6.666666860e-01, v14;
	v10 =	vmul.f32 v13, v10  }
0x20a: {  	v4 =	vadd.s32 $0xFFFFFF81, v4;
	v11 =	vmul.f32 v15, v11;
	v13 =	vmul.f32 v17, v16  }
0x20b: {  	v5 =	vshra.s32 v5, $0x17;
	v4 =	vcvt.s32.f32 v4;
	v12 =	vmul.f32 v14, v12  }
0x20c: {  	v5 =	vadd.s32 $0xFFFFFF81, v5;
	v11 =	vadd.f32 $2.000000000e+00, v11;
	v13 =	vadd.f32 $6.666666860e-01, v13  }
0x20d: {  	v5 =	vcvt.s32.f32 v5;
	v4 =	vmul.f32 $6.931471820e-01, v4;
	v12 =	vadd.f32 $2.000000000e+00, v12  }
0x20e: {  	v10 =	vadd.f32 $2.000000000e+00, v10;
	v6 =	vmul.f32 v11, v6;
	v11 =	vmul.f32 v13, v16  }
0x20f: {  	v2 =	vshra.s32 v2, $0x17;
	v5 =	vmul.f32 $6.931471820e-01, v5;
	v8 =	vmul.f32 v12, v8  }
0x210: {  	v2 =	vadd.s32 $0xFFFFFF81, v2;
	v4 =	vadd.f32 v6, v4;
	v6 =	vmul.f32 v10, v7  }
0x211: {  	v2 =	vcvt.s32.f32 v2;
	v7 =	vadd.f32 $2.000000000e+00, v11;
	v5 =	vadd.f32 v8, v5  }
0x212: {  	v3 =	vadd.f32 v6, v3  }
0x213: {  	v2 =	vmul.f32 $6.931471820e-01, v2;
	v4 =	vadd.f32 v5, v4;
	v5 =	vmul.f32 v7, v9;
	_ =	sdelay $0x1  }
0x214: {  	v3 =	vsub.f32 v4, v3;
	v2 =	vadd.f32 v5, v2;
	_ =	sdelay $0x1  }
0x215: {  	v2 =	vsub.f32 v3, v2;
	_ =	sdelay $0x1  }
0x216: {  	(xrf2) =	vadd.scan.msk.f32 $0xffff, v2;
	_ =	sdelay $0x9  }
.Ltmp1:
0x217: {  	s25 =	sand.u32 $0xF, s25;
	v2, _, _ =	vpop (xrf2);
	(pc) =	sbr.rel @p0 .LBB2_4-.Ltmp1, $4  }
0x218: {  	v3 =	vmov s25;
	v2 =	vbroadcast v2, $0xF  }
0x219: {  	vm0 =	veq.s32 v3, v0  }
0x21a: {  	s22 =	sadd.s32 $0x1, s22;
	p1 =	sne.s32 s25, $0xF;
	v1 =	vsel vm0, v2, v1  }
0x21b: {  	s24 =	sadd.s32 $0x100, s24;
	[tilespmem:s22+$0x0] =	vst @!p1 v1  }
0x21c: {  	s21 =	sadd.s32 $0x1, s21  }
0x21d: {  	p0 =	sne.s32 s21, s6  }
.Ltmp2:
0x21e: {  	_ = 	snop;
	(pc) =	sbr.rel @p0 .LBB2_1-.Ltmp2, $4  }
0x21f: {  	[hbm4b:s5+s2] =	stream.linear.scatter [tilespmem:s20], [sflag:$0x2], $0x200, $0x38;
	[tilespmem:$0x10600] =	vst v63  }
0x220: {  	_ =	swait.ge [sflag:s7], $0x200  }
0x221: {  	[sflag:s7] =	ssyncset.done $0x0  }
0x222: {  	[sflag:s7] =	ssyncadd.s32 $0xFFFFFE00  }
0x223: {  	_ =	sfence.sel $0x180000  }
0x224: {  	[bflag:$0x0] =	sbarrier.arrive $0xFFFF  }
0x225: {  	p0 =	sne.s32 s1, $0x0;
	_ =	strace $0x90000047  }
0x226: {  	s0 =	sadd.s32 @!p0 $0x100000, s0;
	[bflag:$0x2] =	sbarrier.arrive $0xFFFF  }
0x227: {  	[sflag:s0] =	ssyncadd.tile.s32 @!p0 $0x1;
	_ =	shalt  }
.Lfunc_end2:
_tile_overlayer_lowered:
.L_overlay_start_2:
0x228: {  	(tag) =	ssettag $0x2  }
0x229: {  	s0 =	rddreg [dreg:$0x0];
	s2 =	stileid.u32  }
0x22a: {  	s1 =	rddreg [dreg:$0x1];
	p0 =	sne.s32 s2, $0x0  }
0x22b: {  	s3 =	rddreg [dreg:$0x2];
	[bflag:$0x3] =	sbarrier.arrive $0xFFFF;
	s2 =	simm.s32 @!p0 $0x1C02  }
0x22c: {  	[timem:s3], [sflag:s2] =	dma.local @!p0 [hbm:s0], s1  }
0x22d: {  	s0 =	simm.s32 @!p0 $0x2  }
0x22e: {  	_ =	swait.ge @!p0 [sflag:s0], s1  }
0x22f: {  	s1 =	ssub.s32 @!p0 $0x0, s1;
	[sflag:s0] =	ssyncset.done @!p0 $0x0  }
0x230: {  	[sflag:s0] =	ssyncadd.s32 @!p0 s1  }
0x231: {  	[bflag:$0x3] =	sbarrier.arrive $0xFFFF  }
0x232: {  	_ =	shalt  }

</sc_bundles>
